<compile_context>
chip_gen: v7x
topology: tpu7x:2x2x1
jax: 0.10.2.dev20260603
libtpu: 0.0.44.dev20260713+nightly
codegen_flags: <defaults>
</compile_context>

<pallas_src>
import functools

import jax
import jax.numpy as jnp
from jax import lax
from jax.experimental import pallas as pl
from jax.experimental.pallas import tpu as pltpu
from jax.experimental.pallas import tpu_sc as plsc

EMBED_DIM = 128
CHUNK = 64
NBUF = 10


@functools.partial(jax.jit, static_argnames=("num_workers", "n_chunks"))
def _sc_embed_lookup(idx, table, *, num_workers, n_chunks):
    mesh = plsc.VectorSubcoreMesh(core_axis_name="c", subcore_axis_name="s")
    num_cores = mesh.num_cores
    total_rows = num_workers * n_chunks * CHUNK
    rows_per_worker = n_chunks * CHUNK

    n_iters = n_chunks // NBUF

    @functools.partial(
        pl.kernel,
        out_type=jax.ShapeDtypeStruct((total_rows, EMBED_DIM), jnp.float32),
        mesh=mesh,
        scratch_types=[
            pltpu.VMEM((n_chunks, CHUNK), jnp.int32),
            *[pltpu.VMEM((CHUNK, EMBED_DIM), jnp.float32) for _ in range(NBUF)],
            *[pltpu.SemaphoreType.DMA for _ in range(2 * NBUF)],
        ],
    )
    def body(idx_hbm, tab_hbm, out_hbm, idx_v, *scratch):
        bufs = scratch[:NBUF]
        sin = scratch[NBUF : 2 * NBUF]
        sout = scratch[2 * NBUF : 3 * NBUF]
        wid = lax.axis_index("s") * num_cores + lax.axis_index("c")
        base = wid * rows_per_worker
        pltpu.sync_copy(idx_hbm.at[wid], idx_v)
        for b in range(NBUF):
            pltpu.async_copy(tab_hbm.at[idx_v.at[b]], bufs[b], sin[b])

        def step(t, carry):
            j0 = t * NBUF
            for b in range(NBUF):
                pltpu.make_async_copy(
                    tab_hbm.at[idx_v.at[j0 + b]], bufs[b], sin[b]
                ).wait()
                pltpu.async_copy(
                    bufs[b],
                    out_hbm.at[pl.ds(base + (j0 + b) * CHUNK, CHUNK)],
                    sout[b],
                )

            @pl.when(t + 1 < n_iters)
            def _():
                for b in range(NBUF):
                    pltpu.make_async_copy(
                        bufs[b],
                        out_hbm.at[pl.ds(base + (j0 + b) * CHUNK, CHUNK)],
                        sout[b],
                    ).wait()
                    pltpu.async_copy(
                        tab_hbm.at[idx_v.at[j0 + NBUF + b]], bufs[b], sin[b]
                    )

            return carry

        lax.fori_loop(0, n_iters, step, 0)
        for b in range(NBUF):
            j = n_chunks - NBUF + b
            pltpu.make_async_copy(
                bufs[b], out_hbm.at[pl.ds(base + j * CHUNK, CHUNK)], sout[b]
            ).wait()

    return body(idx, table)


def kernel(inputs, embed_weight):
    if inputs.shape[-1] == 1:
        inputs = jnp.squeeze(inputs, axis=-1)
    lead_shape = inputs.shape
    flat = inputs.T.reshape(-1).astype(jnp.int32)
    n = flat.shape[0]
    num_workers = 32
    assert n % (num_workers * CHUNK) == 0
    n_chunks = n // (num_workers * CHUNK)
    assert n_chunks % NBUF == 0
    idx = flat.reshape(num_workers, n_chunks, CHUNK)
    out = _sc_embed_lookup(
        idx, embed_weight, num_workers=num_workers, n_chunks=n_chunks
    )
    out = out.reshape(lead_shape[1], lead_shape[0], EMBED_DIM)
    return jnp.transpose(out, (1, 0, 2))

# --- scband reference (transcript-rebuilt; emitter-appended) ---
"""Pipeline reference for scband-gloembed-63711544869375 (READ-ONLY COPY).

The authoritative reference and input builder live on the scoring server;
editing this copy changes nothing except your own understanding.
"""

import jax, jax.numpy as jnp
import numpy as np

NUM_EMBEDDINGS = 100000
EMBEDDING_DIM = 128

def setup_inputs(seed: int = 0) -> dict:
    key = jax.random.key(seed)
    k_idx, k_tab = jax.random.split(key)
    inputs = jax.random.randint(k_idx, (4096, 50), 0, NUM_EMBEDDINGS, dtype=jnp.int64 if jax.config.read('jax_enable_x64') else jnp.int32)
    embed_weight = jax.random.normal(k_tab, (NUM_EMBEDDINGS, EMBEDDING_DIM), dtype=jnp.float32) * (0.1 / EMBEDDING_DIM)
    return {"inputs": inputs, "embed_weight": embed_weight}

def reference(inputs, embed_weight):
    # GLOEmbed.forward: squeeze trailing dim of size 1, then embedding lookup
    if inputs.shape[-1] == 1:
        inputs = jnp.squeeze(inputs, axis=-1)
    return jnp.take(embed_weight, inputs, axis=0)

if __name__ == "__main__":
    import jax
    _d = setup_inputs()
    print(jax.jit(kernel)(*tuple(_d.values())))

</pallas_src>

<mosaic_0001>
#map = affine_map<(d0, d1) -> (0, 0, 0)>
#map1 = affine_map<(d0, d1) -> (0, 0)>
module attributes {stable_mosaic.version = 14 : i64} {
  func.func @body(%arg0: i32, %arg1: i32, %arg2: memref<32x100x64xi32, #tpu.memory_space<hbm>>, %arg3: memref<100000x128xf32, #tpu.memory_space<hbm>>, %arg4: memref<204800x128xf32, #tpu.memory_space<hbm>>, %arg5: memref<100x64xi32, #tpu.memory_space<vmem>>, %arg6: memref<64x128xf32, #tpu.memory_space<vmem>>, %arg7: memref<64x128xf32, #tpu.memory_space<vmem>>, %arg8: memref<64x128xf32, #tpu.memory_space<vmem>>, %arg9: memref<64x128xf32, #tpu.memory_space<vmem>>, %arg10: memref<64x128xf32, #tpu.memory_space<vmem>>, %arg11: memref<64x128xf32, #tpu.memory_space<vmem>>, %arg12: memref<64x128xf32, #tpu.memory_space<vmem>>, %arg13: memref<64x128xf32, #tpu.memory_space<vmem>>, %arg14: memref<64x128xf32, #tpu.memory_space<vmem>>, %arg15: memref<64x128xf32, #tpu.memory_space<vmem>>, %arg16: memref<!tpu.dma_semaphore, #tpu.memory_space<semaphore_mem>>, %arg17: memref<!tpu.dma_semaphore, #tpu.memory_space<semaphore_mem>>, %arg18: memref<!tpu.dma_semaphore, #tpu.memory_space<semaphore_mem>>, %arg19: memref<!tpu.dma_semaphore, #tpu.memory_space<semaphore_mem>>, %arg20: memref<!tpu.dma_semaphore, #tpu.memory_space<semaphore_mem>>, %arg21: memref<!tpu.dma_semaphore, #tpu.memory_space<semaphore_mem>>, %arg22: memref<!tpu.dma_semaphore, #tpu.memory_space<semaphore_mem>>, %arg23: memref<!tpu.dma_semaphore, #tpu.memory_space<semaphore_mem>>, %arg24: memref<!tpu.dma_semaphore, #tpu.memory_space<semaphore_mem>>, %arg25: memref<!tpu.dma_semaphore, #tpu.memory_space<semaphore_mem>>, %arg26: memref<!tpu.dma_semaphore, #tpu.memory_space<semaphore_mem>>, %arg27: memref<!tpu.dma_semaphore, #tpu.memory_space<semaphore_mem>>, %arg28: memref<!tpu.dma_semaphore, #tpu.memory_space<semaphore_mem>>, %arg29: memref<!tpu.dma_semaphore, #tpu.memory_space<semaphore_mem>>, %arg30: memref<!tpu.dma_semaphore, #tpu.memory_space<semaphore_mem>>, %arg31: memref<!tpu.dma_semaphore, #tpu.memory_space<semaphore_mem>>, %arg32: memref<!tpu.dma_semaphore, #tpu.memory_space<semaphore_mem>>, %arg33: memref<!tpu.dma_semaphore, #tpu.memory_space<semaphore_mem>>, %arg34: memref<!tpu.dma_semaphore, #tpu.memory_space<semaphore_mem>>, %arg35: memref<!tpu.dma_semaphore, #tpu.memory_space<semaphore_mem>>) attributes {dimension_semantics = [#tpu.dimension_semantics<core_parallel>, #tpu.dimension_semantics<subcore_parallel>], iteration_bounds = array<i64: 2, 16>, scalar_prefetch = 0 : i64, scratch_operands = 31 : i64, tpu.core_type = #tpu.core_type<sc_vector_subcore>, window_params = [{transform_indices = #map}, {transform_indices = #map1}, {transform_indices = #map1}]} {
    %mul3A = arith.constant 2 : i32
    %mul3A_0 = arith.muli %arg1, %mul3A : i32
    %add3A = arith.addi %mul3A_0, %arg0 : i32
    %mul3A_1 = arith.constant 6400 : i32
    %mul3A_2 = arith.muli %add3A, %mul3A_1 : i32
    "tpu.region"() ({
      %run_scoped3A = tpu.sem_alloc : memref<!tpu.dma_semaphore, #tpu.memory_space<semaphore_mem>>
      %dma_start3A_136 = arith.constant 0 : i32
      %dma_start3A_137 = arith.constant 0 : i32
      %dma_start3A_138 = tpu.memref_slice %arg2[%add3A, %dma_start3A_136, %dma_start3A_137] : memref<32x100x64xi32, #tpu.memory_space<hbm>> -> memref<1x100x64xi32, #tpu.memory_space<hbm>>
      %dma_start3A_139 = tpu.memref_squeeze %dma_start3A_138 : memref<1x100x64xi32, #tpu.memory_space<hbm>> -> memref<100x64xi32, #tpu.memory_space<hbm>>
      %dma_start3A_140 = arith.constant 0 : i32
      %dma_start3A_141 = arith.constant 0 : i32
      %dma_start3A_142 = tpu.memref_slice %arg2[%add3A, %dma_start3A_140, %dma_start3A_141] : memref<32x100x64xi32, #tpu.memory_space<hbm>> -> memref<1x100x64xi32, #tpu.memory_space<hbm>>
      %dma_start3A_143 = tpu.memref_squeeze %dma_start3A_142 : memref<1x100x64xi32, #tpu.memory_space<hbm>> -> memref<100x64xi32, #tpu.memory_space<hbm>>
      tpu.enqueue_dma source(%dma_start3A_143 : memref<100x64xi32, #tpu.memory_space<hbm>>) target(%arg5 : memref<100x64xi32, #tpu.memory_space<vmem>>) target_semaphore(%run_scoped3A : memref<!tpu.dma_semaphore, #tpu.memory_space<semaphore_mem>>)
      %dma_wait3A_144 = arith.constant 0 : i32
      %dma_wait3A_145 = arith.constant 0 : i32
      %dma_wait3A_146 = tpu.memref_slice %arg2[%add3A, %dma_wait3A_144, %dma_wait3A_145] : memref<32x100x64xi32, #tpu.memory_space<hbm>> -> memref<1x100x64xi32, #tpu.memory_space<hbm>>
      %dma_wait3A_147 = tpu.memref_squeeze %dma_wait3A_146 : memref<1x100x64xi32, #tpu.memory_space<hbm>> -> memref<100x64xi32, #tpu.memory_space<hbm>>
      %dma_wait3A_148 = arith.constant 0 : i32
      %dma_wait3A_149 = arith.constant 0 : i32
      %dma_wait3A_150 = tpu.memref_slice %arg2[%add3A, %dma_wait3A_148, %dma_wait3A_149] : memref<32x100x64xi32, #tpu.memory_space<hbm>> -> memref<1x100x64xi32, #tpu.memory_space<hbm>>
      %dma_wait3A_151 = tpu.memref_squeeze %dma_wait3A_150 : memref<1x100x64xi32, #tpu.memory_space<hbm>> -> memref<100x64xi32, #tpu.memory_space<hbm>>
      tpu.wait_dma2 semaphore(%run_scoped3A : memref<!tpu.dma_semaphore, #tpu.memory_space<semaphore_mem>>) src(%dma_wait3A_151 : memref<100x64xi32, #tpu.memory_space<hbm>>) dst(%arg5 : memref<100x64xi32, #tpu.memory_space<vmem>>)
      tpu.yield
    }) : () -> ()
    %dma_start3A = arith.constant 0 : i32
    %dma_start3A_3 = arith.constant 0 : i32
    %dma_start3A_4 = tpu.memref_slice %arg5[%dma_start3A, %dma_start3A_3] : memref<100x64xi32, #tpu.memory_space<vmem>> -> memref<1x64xi32, #tpu.memory_space<vmem>>
    %dma_start3A_5 = tpu.memref_squeeze %dma_start3A_4 : memref<1x64xi32, #tpu.memory_space<vmem>> -> memref<64xi32, #tpu.memory_space<vmem>>
    %dma_start3A_6 = arith.constant 0 : i32
    %dma_start3A_7 = arith.constant 0 : i32
    %dma_start3A_8 = tpu.memref_slice %arg3[%dma_start3A_6, %dma_start3A_7] : memref<100000x128xf32, #tpu.memory_space<hbm>> -> memref<100000x128xf32, #tpu.memory_space<hbm>>
    tpu.enqueue_indirect_dma source(%dma_start3A_8 : memref<100000x128xf32, #tpu.memory_space<hbm>>) target(%arg6 : memref<64x128xf32, #tpu.memory_space<vmem>>) offsets(%dma_start3A_5 : memref<64xi32, #tpu.memory_space<vmem>>) semaphore(%arg16 : memref<!tpu.dma_semaphore, #tpu.memory_space<semaphore_mem>>)
    %dma_start3A_9 = arith.constant 1 : i32
    %dma_start3A_10 = arith.constant 0 : i32
    %dma_start3A_11 = tpu.memref_slice %arg5[%dma_start3A_9, %dma_start3A_10] : memref<100x64xi32, #tpu.memory_space<vmem>> -> memref<1x64xi32, #tpu.memory_space<vmem>>
    %dma_start3A_12 = tpu.memref_squeeze %dma_start3A_11 : memref<1x64xi32, #tpu.memory_space<vmem>> -> memref<64xi32, #tpu.memory_space<vmem>>
    %dma_start3A_13 = arith.constant 0 : i32
    %dma_start3A_14 = arith.constant 0 : i32
    %dma_start3A_15 = tpu.memref_slice %arg3[%dma_start3A_13, %dma_start3A_14] : memref<100000x128xf32, #tpu.memory_space<hbm>> -> memref<100000x128xf32, #tpu.memory_space<hbm>>
    tpu.enqueue_indirect_dma source(%dma_start3A_15 : memref<100000x128xf32, #tpu.memory_space<hbm>>) target(%arg7 : memref<64x128xf32, #tpu.memory_space<vmem>>) offsets(%dma_start3A_12 : memref<64xi32, #tpu.memory_space<vmem>>) semaphore(%arg17 : memref<!tpu.dma_semaphore, #tpu.memory_space<semaphore_mem>>)
    %dma_start3A_16 = arith.constant 2 : i32
    %dma_start3A_17 = arith.constant 0 : i32
    %dma_start3A_18 = tpu.memref_slice %arg5[%dma_start3A_16, %dma_start3A_17] : memref<100x64xi32, #tpu.memory_space<vmem>> -> memref<1x64xi32, #tpu.memory_space<vmem>>
    %dma_start3A_19 = tpu.memref_squeeze %dma_start3A_18 : memref<1x64xi32, #tpu.memory_space<vmem>> -> memref<64xi32, #tpu.memory_space<vmem>>
    %dma_start3A_20 = arith.constant 0 : i32
    %dma_start3A_21 = arith.constant 0 : i32
    %dma_start3A_22 = tpu.memref_slice %arg3[%dma_start3A_20, %dma_start3A_21] : memref<100000x128xf32, #tpu.memory_space<hbm>> -> memref<100000x128xf32, #tpu.memory_space<hbm>>
    tpu.enqueue_indirect_dma source(%dma_start3A_22 : memref<100000x128xf32, #tpu.memory_space<hbm>>) target(%arg8 : memref<64x128xf32, #tpu.memory_space<vmem>>) offsets(%dma_start3A_19 : memref<64xi32, #tpu.memory_space<vmem>>) semaphore(%arg18 : memref<!tpu.dma_semaphore, #tpu.memory_space<semaphore_mem>>)
    %dma_start3A_23 = arith.constant 3 : i32
    %dma_start3A_24 = arith.constant 0 : i32
    %dma_start3A_25 = tpu.memref_slice %arg5[%dma_start3A_23, %dma_start3A_24] : memref<100x64xi32, #tpu.memory_space<vmem>> -> memref<1x64xi32, #tpu.memory_space<vmem>>
    %dma_start3A_26 = tpu.memref_squeeze %dma_start3A_25 : memref<1x64xi32, #tpu.memory_space<vmem>> -> memref<64xi32, #tpu.memory_space<vmem>>
    %dma_start3A_27 = arith.constant 0 : i32
    %dma_start3A_28 = arith.constant 0 : i32
    %dma_start3A_29 = tpu.memref_slice %arg3[%dma_start3A_27, %dma_start3A_28] : memref<100000x128xf32, #tpu.memory_space<hbm>> -> memref<100000x128xf32, #tpu.memory_space<hbm>>
    tpu.enqueue_indirect_dma source(%dma_start3A_29 : memref<100000x128xf32, #tpu.memory_space<hbm>>) target(%arg9 : memref<64x128xf32, #tpu.memory_space<vmem>>) offsets(%dma_start3A_26 : memref<64xi32, #tpu.memory_space<vmem>>) semaphore(%arg19 : memref<!tpu.dma_semaphore, #tpu.memory_space<semaphore_mem>>)
    %dma_start3A_30 = arith.constant 4 : i32
    %dma_start3A_31 = arith.constant 0 : i32
    %dma_start3A_32 = tpu.memref_slice %arg5[%dma_start3A_30, %dma_start3A_31] : memref<100x64xi32, #tpu.memory_space<vmem>> -> memref<1x64xi32, #tpu.memory_space<vmem>>
    %dma_start3A_33 = tpu.memref_squeeze %dma_start3A_32 : memref<1x64xi32, #tpu.memory_space<vmem>> -> memref<64xi32, #tpu.memory_space<vmem>>
    %dma_start3A_34 = arith.constant 0 : i32
    %dma_start3A_35 = arith.constant 0 : i32
    %dma_start3A_36 = tpu.memref_slice %arg3[%dma_start3A_34, %dma_start3A_35] : memref<100000x128xf32, #tpu.memory_space<hbm>> -> memref<100000x128xf32, #tpu.memory_space<hbm>>
    tpu.enqueue_indirect_dma source(%dma_start3A_36 : memref<100000x128xf32, #tpu.memory_space<hbm>>) target(%arg10 : memref<64x128xf32, #tpu.memory_space<vmem>>) offsets(%dma_start3A_33 : memref<64xi32, #tpu.memory_space<vmem>>) semaphore(%arg20 : memref<!tpu.dma_semaphore, #tpu.memory_space<semaphore_mem>>)
    %dma_start3A_37 = arith.constant 5 : i32
    %dma_start3A_38 = arith.constant 0 : i32
    %dma_start3A_39 = tpu.memref_slice %arg5[%dma_start3A_37, %dma_start3A_38] : memref<100x64xi32, #tpu.memory_space<vmem>> -> memref<1x64xi32, #tpu.memory_space<vmem>>
    %dma_start3A_40 = tpu.memref_squeeze %dma_start3A_39 : memref<1x64xi32, #tpu.memory_space<vmem>> -> memref<64xi32, #tpu.memory_space<vmem>>
    %dma_start3A_41 = arith.constant 0 : i32
    %dma_start3A_42 = arith.constant 0 : i32
    %dma_start3A_43 = tpu.memref_slice %arg3[%dma_start3A_41, %dma_start3A_42] : memref<100000x128xf32, #tpu.memory_space<hbm>> -> memref<100000x128xf32, #tpu.memory_space<hbm>>
    tpu.enqueue_indirect_dma source(%dma_start3A_43 : memref<100000x128xf32, #tpu.memory_space<hbm>>) target(%arg11 : memref<64x128xf32, #tpu.memory_space<vmem>>) offsets(%dma_start3A_40 : memref<64xi32, #tpu.memory_space<vmem>>) semaphore(%arg21 : memref<!tpu.dma_semaphore, #tpu.memory_space<semaphore_mem>>)
    %dma_start3A_44 = arith.constant 6 : i32
    %dma_start3A_45 = arith.constant 0 : i32
    %dma_start3A_46 = tpu.memref_slice %arg5[%dma_start3A_44, %dma_start3A_45] : memref<100x64xi32, #tpu.memory_space<vmem>> -> memref<1x64xi32, #tpu.memory_space<vmem>>
    %dma_start3A_47 = tpu.memref_squeeze %dma_start3A_46 : memref<1x64xi32, #tpu.memory_space<vmem>> -> memref<64xi32, #tpu.memory_space<vmem>>
    %dma_start3A_48 = arith.constant 0 : i32
    %dma_start3A_49 = arith.constant 0 : i32
    %dma_start3A_50 = tpu.memref_slice %arg3[%dma_start3A_48, %dma_start3A_49] : memref<100000x128xf32, #tpu.memory_space<hbm>> -> memref<100000x128xf32, #tpu.memory_space<hbm>>
    tpu.enqueue_indirect_dma source(%dma_start3A_50 : memref<100000x128xf32, #tpu.memory_space<hbm>>) target(%arg12 : memref<64x128xf32, #tpu.memory_space<vmem>>) offsets(%dma_start3A_47 : memref<64xi32, #tpu.memory_space<vmem>>) semaphore(%arg22 : memref<!tpu.dma_semaphore, #tpu.memory_space<semaphore_mem>>)
    %dma_start3A_51 = arith.constant 7 : i32
    %dma_start3A_52 = arith.constant 0 : i32
    %dma_start3A_53 = tpu.memref_slice %arg5[%dma_start3A_51, %dma_start3A_52] : memref<100x64xi32, #tpu.memory_space<vmem>> -> memref<1x64xi32, #tpu.memory_space<vmem>>
    %dma_start3A_54 = tpu.memref_squeeze %dma_start3A_53 : memref<1x64xi32, #tpu.memory_space<vmem>> -> memref<64xi32, #tpu.memory_space<vmem>>
    %dma_start3A_55 = arith.constant 0 : i32
    %dma_start3A_56 = arith.constant 0 : i32
    %dma_start3A_57 = tpu.memref_slice %arg3[%dma_start3A_55, %dma_start3A_56] : memref<100000x128xf32, #tpu.memory_space<hbm>> -> memref<100000x128xf32, #tpu.memory_space<hbm>>
    tpu.enqueue_indirect_dma source(%dma_start3A_57 : memref<100000x128xf32, #tpu.memory_space<hbm>>) target(%arg13 : memref<64x128xf32, #tpu.memory_space<vmem>>) offsets(%dma_start3A_54 : memref<64xi32, #tpu.memory_space<vmem>>) semaphore(%arg23 : memref<!tpu.dma_semaphore, #tpu.memory_space<semaphore_mem>>)
    %dma_start3A_58 = arith.constant 8 : i32
    %dma_start3A_59 = arith.constant 0 : i32
    %dma_start3A_60 = tpu.memref_slice %arg5[%dma_start3A_58, %dma_start3A_59] : memref<100x64xi32, #tpu.memory_space<vmem>> -> memref<1x64xi32, #tpu.memory_space<vmem>>
    %dma_start3A_61 = tpu.memref_squeeze %dma_start3A_60 : memref<1x64xi32, #tpu.memory_space<vmem>> -> memref<64xi32, #tpu.memory_space<vmem>>
    %dma_start3A_62 = arith.constant 0 : i32
    %dma_start3A_63 = arith.constant 0 : i32
    %dma_start3A_64 = tpu.memref_slice %arg3[%dma_start3A_62, %dma_start3A_63] : memref<100000x128xf32, #tpu.memory_space<hbm>> -> memref<100000x128xf32, #tpu.memory_space<hbm>>
    tpu.enqueue_indirect_dma source(%dma_start3A_64 : memref<100000x128xf32, #tpu.memory_space<hbm>>) target(%arg14 : memref<64x128xf32, #tpu.memory_space<vmem>>) offsets(%dma_start3A_61 : memref<64xi32, #tpu.memory_space<vmem>>) semaphore(%arg24 : memref<!tpu.dma_semaphore, #tpu.memory_space<semaphore_mem>>)
    %dma_start3A_65 = arith.constant 9 : i32
    %dma_start3A_66 = arith.constant 0 : i32
    %dma_start3A_67 = tpu.memref_slice %arg5[%dma_start3A_65, %dma_start3A_66] : memref<100x64xi32, #tpu.memory_space<vmem>> -> memref<1x64xi32, #tpu.memory_space<vmem>>
    %dma_start3A_68 = tpu.memref_squeeze %dma_start3A_67 : memref<1x64xi32, #tpu.memory_space<vmem>> -> memref<64xi32, #tpu.memory_space<vmem>>
    %dma_start3A_69 = arith.constant 0 : i32
    %dma_start3A_70 = arith.constant 0 : i32
    %dma_start3A_71 = tpu.memref_slice %arg3[%dma_start3A_69, %dma_start3A_70] : memref<100000x128xf32, #tpu.memory_space<hbm>> -> memref<100000x128xf32, #tpu.memory_space<hbm>>
    tpu.enqueue_indirect_dma source(%dma_start3A_71 : memref<100000x128xf32, #tpu.memory_space<hbm>>) target(%arg15 : memref<64x128xf32, #tpu.memory_space<vmem>>) offsets(%dma_start3A_68 : memref<64xi32, #tpu.memory_space<vmem>>) semaphore(%arg25 : memref<!tpu.dma_semaphore, #tpu.memory_space<semaphore_mem>>)
    %scan3A = arith.constant 0 : i32
    %scan3A_72 = arith.constant 0 : i32
    %scan3A_73 = arith.constant 10 : i32
    %scan3A_74 = arith.addi %scan3A_72, %scan3A_73 : i32
    %scan3A_75 = arith.constant 1 : i32
    scf.for %scan3A_136 = %scan3A_72 to %scan3A_74 step %scan3A_75  : i32 {
      %mul3A_137 = arith.constant 10 : i32
      %mul3A_138 = arith.muli %scan3A_136, %mul3A_137 : i32
      %add3A_139 = arith.constant 0 : i32
      %add3A_140 = arith.addi %mul3A_138, %add3A_139 : i32
      %dma_wait3A_141 = arith.constant 0 : i32
      %dma_wait3A_142 = tpu.memref_slice %arg5[%add3A_140, %dma_wait3A_141] : memref<100x64xi32, #tpu.memory_space<vmem>> -> memref<1x64xi32, #tpu.memory_space<vmem>>
      %dma_wait3A_143 = tpu.memref_squeeze %dma_wait3A_142 : memref<1x64xi32, #tpu.memory_space<vmem>> -> memref<64xi32, #tpu.memory_space<vmem>>
      %dma_wait3A_144 = arith.constant 0 : i32
      %dma_wait3A_145 = arith.constant 0 : i32
      %dma_wait3A_146 = tpu.memref_slice %arg3[%dma_wait3A_144, %dma_wait3A_145] : memref<100000x128xf32, #tpu.memory_space<hbm>> -> memref<100000x128xf32, #tpu.memory_space<hbm>>
      tpu.wait_indirect_dma semaphore(%arg16 : memref<!tpu.dma_semaphore, #tpu.memory_space<semaphore_mem>>) src(%dma_wait3A_146 : memref<100000x128xf32, #tpu.memory_space<hbm>>) dst(%arg6 : memref<64x128xf32, #tpu.memory_space<vmem>>)
      %add3A_147 = arith.constant 0 : i32
      %add3A_148 = arith.addi %mul3A_138, %add3A_147 : i32
      %mul3A_149 = arith.constant 64 : i32
      %mul3A_150 = arith.muli %add3A_148, %mul3A_149 : i32
      %add3A_151 = arith.addi %mul3A_2, %mul3A_150 : i32
      %dma_start3A_152 = arith.constant 0 : i32
      %dma_start3A_153 = tpu.memref_slice %arg4[%add3A_151, %dma_start3A_152] : memref<204800x128xf32, #tpu.memory_space<hbm>> -> memref<64x128xf32, #tpu.memory_space<hbm>>
      %dma_start3A_154 = arith.constant 0 : i32
      %dma_start3A_155 = tpu.memref_slice %arg4[%add3A_151, %dma_start3A_154] : memref<204800x128xf32, #tpu.memory_space<hbm>> -> memref<64x128xf32, #tpu.memory_space<hbm>>
      tpu.enqueue_dma source(%arg6 : memref<64x128xf32, #tpu.memory_space<vmem>>) target(%dma_start3A_155 : memref<64x128xf32, #tpu.memory_space<hbm>>) target_semaphore(%arg26 : memref<!tpu.dma_semaphore, #tpu.memory_space<semaphore_mem>>)
      %add3A_156 = arith.constant 1 : i32
      %add3A_157 = arith.addi %mul3A_138, %add3A_156 : i32
      %dma_wait3A_158 = arith.constant 0 : i32
      %dma_wait3A_159 = tpu.memref_slice %arg5[%add3A_157, %dma_wait3A_158] : memref<100x64xi32, #tpu.memory_space<vmem>> -> memref<1x64xi32, #tpu.memory_space<vmem>>
      %dma_wait3A_160 = tpu.memref_squeeze %dma_wait3A_159 : memref<1x64xi32, #tpu.memory_space<vmem>> -> memref<64xi32, #tpu.memory_space<vmem>>
      %dma_wait3A_161 = arith.constant 0 : i32
      %dma_wait3A_162 = arith.constant 0 : i32
      %dma_wait3A_163 = tpu.memref_slice %arg3[%dma_wait3A_161, %dma_wait3A_162] : memref<100000x128xf32, #tpu.memory_space<hbm>> -> memref<100000x128xf32, #tpu.memory_space<hbm>>
      tpu.wait_indirect_dma semaphore(%arg17 : memref<!tpu.dma_semaphore, #tpu.memory_space<semaphore_mem>>) src(%dma_wait3A_163 : memref<100000x128xf32, #tpu.memory_space<hbm>>) dst(%arg7 : memref<64x128xf32, #tpu.memory_space<vmem>>)
      %add3A_164 = arith.constant 1 : i32
      %add3A_165 = arith.addi %mul3A_138, %add3A_164 : i32
      %mul3A_166 = arith.constant 64 : i32
      %mul3A_167 = arith.muli %add3A_165, %mul3A_166 : i32
      %add3A_168 = arith.addi %mul3A_2, %mul3A_167 : i32
      %dma_start3A_169 = arith.constant 0 : i32
      %dma_start3A_170 = tpu.memref_slice %arg4[%add3A_168, %dma_start3A_169] : memref<204800x128xf32, #tpu.memory_space<hbm>> -> memref<64x128xf32, #tpu.memory_space<hbm>>
      %dma_start3A_171 = arith.constant 0 : i32
      %dma_start3A_172 = tpu.memref_slice %arg4[%add3A_168, %dma_start3A_171] : memref<204800x128xf32, #tpu.memory_space<hbm>> -> memref<64x128xf32, #tpu.memory_space<hbm>>
      tpu.enqueue_dma source(%arg7 : memref<64x128xf32, #tpu.memory_space<vmem>>) target(%dma_start3A_172 : memref<64x128xf32, #tpu.memory_space<hbm>>) target_semaphore(%arg27 : memref<!tpu.dma_semaphore, #tpu.memory_space<semaphore_mem>>)
      %add3A_173 = arith.constant 2 : i32
      %add3A_174 = arith.addi %mul3A_138, %add3A_173 : i32
      %dma_wait3A_175 = arith.constant 0 : i32
      %dma_wait3A_176 = tpu.memref_slice %arg5[%add3A_174, %dma_wait3A_175] : memref<100x64xi32, #tpu.memory_space<vmem>> -> memref<1x64xi32, #tpu.memory_space<vmem>>
      %dma_wait3A_177 = tpu.memref_squeeze %dma_wait3A_176 : memref<1x64xi32, #tpu.memory_space<vmem>> -> memref<64xi32, #tpu.memory_space<vmem>>
      %dma_wait3A_178 = arith.constant 0 : i32
      %dma_wait3A_179 = arith.constant 0 : i32
      %dma_wait3A_180 = tpu.memref_slice %arg3[%dma_wait3A_178, %dma_wait3A_179] : memref<100000x128xf32, #tpu.memory_space<hbm>> -> memref<100000x128xf32, #tpu.memory_space<hbm>>
      tpu.wait_indirect_dma semaphore(%arg18 : memref<!tpu.dma_semaphore, #tpu.memory_space<semaphore_mem>>) src(%dma_wait3A_180 : memref<100000x128xf32, #tpu.memory_space<hbm>>) dst(%arg8 : memref<64x128xf32, #tpu.memory_space<vmem>>)
      %add3A_181 = arith.constant 2 : i32
      %add3A_182 = arith.addi %mul3A_138, %add3A_181 : i32
      %mul3A_183 = arith.constant 64 : i32
      %mul3A_184 = arith.muli %add3A_182, %mul3A_183 : i32
      %add3A_185 = arith.addi %mul3A_2, %mul3A_184 : i32
      %dma_start3A_186 = arith.constant 0 : i32
      %dma_start3A_187 = tpu.memref_slice %arg4[%add3A_185, %dma_start3A_186] : memref<204800x128xf32, #tpu.memory_space<hbm>> -> memref<64x128xf32, #tpu.memory_space<hbm>>
      %dma_start3A_188 = arith.constant 0 : i32
      %dma_start3A_189 = tpu.memref_slice %arg4[%add3A_185, %dma_start3A_188] : memref<204800x128xf32, #tpu.memory_space<hbm>> -> memref<64x128xf32, #tpu.memory_space<hbm>>
      tpu.enqueue_dma source(%arg8 : memref<64x128xf32, #tpu.memory_space<vmem>>) target(%dma_start3A_189 : memref<64x128xf32, #tpu.memory_space<hbm>>) target_semaphore(%arg28 : memref<!tpu.dma_semaphore, #tpu.memory_space<semaphore_mem>>)
      %add3A_190 = arith.constant 3 : i32
      %add3A_191 = arith.addi %mul3A_138, %add3A_190 : i32
      %dma_wait3A_192 = arith.constant 0 : i32
      %dma_wait3A_193 = tpu.memref_slice %arg5[%add3A_191, %dma_wait3A_192] : memref<100x64xi32, #tpu.memory_space<vmem>> -> memref<1x64xi32, #tpu.memory_space<vmem>>
      %dma_wait3A_194 = tpu.memref_squeeze %dma_wait3A_193 : memref<1x64xi32, #tpu.memory_space<vmem>> -> memref<64xi32, #tpu.memory_space<vmem>>
      %dma_wait3A_195 = arith.constant 0 : i32
      %dma_wait3A_196 = arith.constant 0 : i32
      %dma_wait3A_197 = tpu.memref_slice %arg3[%dma_wait3A_195, %dma_wait3A_196] : memref<100000x128xf32, #tpu.memory_space<hbm>> -> memref<100000x128xf32, #tpu.memory_space<hbm>>
      tpu.wait_indirect_dma semaphore(%arg19 : memref<!tpu.dma_semaphore, #tpu.memory_space<semaphore_mem>>) src(%dma_wait3A_197 : memref<100000x128xf32, #tpu.memory_space<hbm>>) dst(%arg9 : memref<64x128xf32, #tpu.memory_space<vmem>>)
      %add3A_198 = arith.constant 3 : i32
      %add3A_199 = arith.addi %mul3A_138, %add3A_198 : i32
      %mul3A_200 = arith.constant 64 : i32
      %mul3A_201 = arith.muli %add3A_199, %mul3A_200 : i32
      %add3A_202 = arith.addi %mul3A_2, %mul3A_201 : i32
      %dma_start3A_203 = arith.constant 0 : i32
      %dma_start3A_204 = tpu.memref_slice %arg4[%add3A_202, %dma_start3A_203] : memref<204800x128xf32, #tpu.memory_space<hbm>> -> memref<64x128xf32, #tpu.memory_space<hbm>>
      %dma_start3A_205 = arith.constant 0 : i32
      %dma_start3A_206 = tpu.memref_slice %arg4[%add3A_202, %dma_start3A_205] : memref<204800x128xf32, #tpu.memory_space<hbm>> -> memref<64x128xf32, #tpu.memory_space<hbm>>
      tpu.enqueue_dma source(%arg9 : memref<64x128xf32, #tpu.memory_space<vmem>>) target(%dma_start3A_206 : memref<64x128xf32, #tpu.memory_space<hbm>>) target_semaphore(%arg29 : memref<!tpu.dma_semaphore, #tpu.memory_space<semaphore_mem>>)
      %add3A_207 = arith.constant 4 : i32
      %add3A_208 = arith.addi %mul3A_138, %add3A_207 : i32
      %dma_wait3A_209 = arith.constant 0 : i32
      %dma_wait3A_210 = tpu.memref_slice %arg5[%add3A_208, %dma_wait3A_209] : memref<100x64xi32, #tpu.memory_space<vmem>> -> memref<1x64xi32, #tpu.memory_space<vmem>>
      %dma_wait3A_211 = tpu.memref_squeeze %dma_wait3A_210 : memref<1x64xi32, #tpu.memory_space<vmem>> -> memref<64xi32, #tpu.memory_space<vmem>>
      %dma_wait3A_212 = arith.constant 0 : i32
      %dma_wait3A_213 = arith.constant 0 : i32
      %dma_wait3A_214 = tpu.memref_slice %arg3[%dma_wait3A_212, %dma_wait3A_213] : memref<100000x128xf32, #tpu.memory_space<hbm>> -> memref<100000x128xf32, #tpu.memory_space<hbm>>
      tpu.wait_indirect_dma semaphore(%arg20 : memref<!tpu.dma_semaphore, #tpu.memory_space<semaphore_mem>>) src(%dma_wait3A_214 : memref<100000x128xf32, #tpu.memory_space<hbm>>) dst(%arg10 : memref<64x128xf32, #tpu.memory_space<vmem>>)
      %add3A_215 = arith.constant 4 : i32
      %add3A_216 = arith.addi %mul3A_138, %add3A_215 : i32
      %mul3A_217 = arith.constant 64 : i32
      %mul3A_218 = arith.muli %add3A_216, %mul3A_217 : i32
      %add3A_219 = arith.addi %mul3A_2, %mul3A_218 : i32
      %dma_start3A_220 = arith.constant 0 : i32
      %dma_start3A_221 = tpu.memref_slice %arg4[%add3A_219, %dma_start3A_220] : memref<204800x128xf32, #tpu.memory_space<hbm>> -> memref<64x128xf32, #tpu.memory_space<hbm>>
      %dma_start3A_222 = arith.constant 0 : i32
      %dma_start3A_223 = tpu.memref_slice %arg4[%add3A_219, %dma_start3A_222] : memref<204800x128xf32, #tpu.memory_space<hbm>> -> memref<64x128xf32, #tpu.memory_space<hbm>>
      tpu.enqueue_dma source(%arg10 : memref<64x128xf32, #tpu.memory_space<vmem>>) target(%dma_start3A_223 : memref<64x128xf32, #tpu.memory_space<hbm>>) target_semaphore(%arg30 : memref<!tpu.dma_semaphore, #tpu.memory_space<semaphore_mem>>)
      %add3A_224 = arith.constant 5 : i32
      %add3A_225 = arith.addi %mul3A_138, %add3A_224 : i32
      %dma_wait3A_226 = arith.constant 0 : i32
      %dma_wait3A_227 = tpu.memref_slice %arg5[%add3A_225, %dma_wait3A_226] : memref<100x64xi32, #tpu.memory_space<vmem>> -> memref<1x64xi32, #tpu.memory_space<vmem>>
      %dma_wait3A_228 = tpu.memref_squeeze %dma_wait3A_227 : memref<1x64xi32, #tpu.memory_space<vmem>> -> memref<64xi32, #tpu.memory_space<vmem>>
      %dma_wait3A_229 = arith.constant 0 : i32
      %dma_wait3A_230 = arith.constant 0 : i32
      %dma_wait3A_231 = tpu.memref_slice %arg3[%dma_wait3A_229, %dma_wait3A_230] : memref<100000x128xf32, #tpu.memory_space<hbm>> -> memref<100000x128xf32, #tpu.memory_space<hbm>>
      tpu.wait_indirect_dma semaphore(%arg21 : memref<!tpu.dma_semaphore, #tpu.memory_space<semaphore_mem>>) src(%dma_wait3A_231 : memref<100000x128xf32, #tpu.memory_space<hbm>>) dst(%arg11 : memref<64x128xf32, #tpu.memory_space<vmem>>)
      %add3A_232 = arith.constant 5 : i32
      %add3A_233 = arith.addi %mul3A_138, %add3A_232 : i32
      %mul3A_234 = arith.constant 64 : i32
      %mul3A_235 = arith.muli %add3A_233, %mul3A_234 : i32
      %add3A_236 = arith.addi %mul3A_2, %mul3A_235 : i32
      %dma_start3A_237 = arith.constant 0 : i32
      %dma_start3A_238 = tpu.memref_slice %arg4[%add3A_236, %dma_start3A_237] : memref<204800x128xf32, #tpu.memory_space<hbm>> -> memref<64x128xf32, #tpu.memory_space<hbm>>
      %dma_start3A_239 = arith.constant 0 : i32
      %dma_start3A_240 = tpu.memref_slice %arg4[%add3A_236, %dma_start3A_239] : memref<204800x128xf32, #tpu.memory_space<hbm>> -> memref<64x128xf32, #tpu.memory_space<hbm>>
      tpu.enqueue_dma source(%arg11 : memref<64x128xf32, #tpu.memory_space<vmem>>) target(%dma_start3A_240 : memref<64x128xf32, #tpu.memory_space<hbm>>) target_semaphore(%arg31 : memref<!tpu.dma_semaphore, #tpu.memory_space<semaphore_mem>>)
      %add3A_241 = arith.constant 6 : i32
      %add3A_242 = arith.addi %mul3A_138, %add3A_241 : i32
      %dma_wait3A_243 = arith.constant 0 : i32
      %dma_wait3A_244 = tpu.memref_slice %arg5[%add3A_242, %dma_wait3A_243] : memref<100x64xi32, #tpu.memory_space<vmem>> -> memref<1x64xi32, #tpu.memory_space<vmem>>
      %dma_wait3A_245 = tpu.memref_squeeze %dma_wait3A_244 : memref<1x64xi32, #tpu.memory_space<vmem>> -> memref<64xi32, #tpu.memory_space<vmem>>
      %dma_wait3A_246 = arith.constant 0 : i32
      %dma_wait3A_247 = arith.constant 0 : i32
      %dma_wait3A_248 = tpu.memref_slice %arg3[%dma_wait3A_246, %dma_wait3A_247] : memref<100000x128xf32, #tpu.memory_space<hbm>> -> memref<100000x128xf32, #tpu.memory_space<hbm>>
      tpu.wait_indirect_dma semaphore(%arg22 : memref<!tpu.dma_semaphore, #tpu.memory_space<semaphore_mem>>) src(%dma_wait3A_248 : memref<100000x128xf32, #tpu.memory_space<hbm>>) dst(%arg12 : memref<64x128xf32, #tpu.memory_space<vmem>>)
      %add3A_249 = arith.constant 6 : i32
      %add3A_250 = arith.addi %mul3A_138, %add3A_249 : i32
      %mul3A_251 = arith.constant 64 : i32
      %mul3A_252 = arith.muli %add3A_250, %mul3A_251 : i32
      %add3A_253 = arith.addi %mul3A_2, %mul3A_252 : i32
      %dma_start3A_254 = arith.constant 0 : i32
      %dma_start3A_255 = tpu.memref_slice %arg4[%add3A_253, %dma_start3A_254] : memref<204800x128xf32, #tpu.memory_space<hbm>> -> memref<64x128xf32, #tpu.memory_space<hbm>>
      %dma_start3A_256 = arith.constant 0 : i32
      %dma_start3A_257 = tpu.memref_slice %arg4[%add3A_253, %dma_start3A_256] : memref<204800x128xf32, #tpu.memory_space<hbm>> -> memref<64x128xf32, #tpu.memory_space<hbm>>
      tpu.enqueue_dma source(%arg12 : memref<64x128xf32, #tpu.memory_space<vmem>>) target(%dma_start3A_257 : memref<64x128xf32, #tpu.memory_space<hbm>>) target_semaphore(%arg32 : memref<!tpu.dma_semaphore, #tpu.memory_space<semaphore_mem>>)
      %add3A_258 = arith.constant 7 : i32
      %add3A_259 = arith.addi %mul3A_138, %add3A_258 : i32
      %dma_wait3A_260 = arith.constant 0 : i32
      %dma_wait3A_261 = tpu.memref_slice %arg5[%add3A_259, %dma_wait3A_260] : memref<100x64xi32, #tpu.memory_space<vmem>> -> memref<1x64xi32, #tpu.memory_space<vmem>>
      %dma_wait3A_262 = tpu.memref_squeeze %dma_wait3A_261 : memref<1x64xi32, #tpu.memory_space<vmem>> -> memref<64xi32, #tpu.memory_space<vmem>>
      %dma_wait3A_263 = arith.constant 0 : i32
      %dma_wait3A_264 = arith.constant 0 : i32
      %dma_wait3A_265 = tpu.memref_slice %arg3[%dma_wait3A_263, %dma_wait3A_264] : memref<100000x128xf32, #tpu.memory_space<hbm>> -> memref<100000x128xf32, #tpu.memory_space<hbm>>
      tpu.wait_indirect_dma semaphore(%arg23 : memref<!tpu.dma_semaphore, #tpu.memory_space<semaphore_mem>>) src(%dma_wait3A_265 : memref<100000x128xf32, #tpu.memory_space<hbm>>) dst(%arg13 : memref<64x128xf32, #tpu.memory_space<vmem>>)
      %add3A_266 = arith.constant 7 : i32
      %add3A_267 = arith.addi %mul3A_138, %add3A_266 : i32
      %mul3A_268 = arith.constant 64 : i32
      %mul3A_269 = arith.muli %add3A_267, %mul3A_268 : i32
      %add3A_270 = arith.addi %mul3A_2, %mul3A_269 : i32
      %dma_start3A_271 = arith.constant 0 : i32
      %dma_start3A_272 = tpu.memref_slice %arg4[%add3A_270, %dma_start3A_271] : memref<204800x128xf32, #tpu.memory_space<hbm>> -> memref<64x128xf32, #tpu.memory_space<hbm>>
      %dma_start3A_273 = arith.constant 0 : i32
      %dma_start3A_274 = tpu.memref_slice %arg4[%add3A_270, %dma_start3A_273] : memref<204800x128xf32, #tpu.memory_space<hbm>> -> memref<64x128xf32, #tpu.memory_space<hbm>>
      tpu.enqueue_dma source(%arg13 : memref<64x128xf32, #tpu.memory_space<vmem>>) target(%dma_start3A_274 : memref<64x128xf32, #tpu.memory_space<hbm>>) target_semaphore(%arg33 : memref<!tpu.dma_semaphore, #tpu.memory_space<semaphore_mem>>)
      %add3A_275 = arith.constant 8 : i32
      %add3A_276 = arith.addi %mul3A_138, %add3A_275 : i32
      %dma_wait3A_277 = arith.constant 0 : i32
      %dma_wait3A_278 = tpu.memref_slice %arg5[%add3A_276, %dma_wait3A_277] : memref<100x64xi32, #tpu.memory_space<vmem>> -> memref<1x64xi32, #tpu.memory_space<vmem>>
      %dma_wait3A_279 = tpu.memref_squeeze %dma_wait3A_278 : memref<1x64xi32, #tpu.memory_space<vmem>> -> memref<64xi32, #tpu.memory_space<vmem>>
      %dma_wait3A_280 = arith.constant 0 : i32
      %dma_wait3A_281 = arith.constant 0 : i32
      %dma_wait3A_282 = tpu.memref_slice %arg3[%dma_wait3A_280, %dma_wait3A_281] : memref<100000x128xf32, #tpu.memory_space<hbm>> -> memref<100000x128xf32, #tpu.memory_space<hbm>>
      tpu.wait_indirect_dma semaphore(%arg24 : memref<!tpu.dma_semaphore, #tpu.memory_space<semaphore_mem>>) src(%dma_wait3A_282 : memref<100000x128xf32, #tpu.memory_space<hbm>>) dst(%arg14 : memref<64x128xf32, #tpu.memory_space<vmem>>)
      %add3A_283 = arith.constant 8 : i32
      %add3A_284 = arith.addi %mul3A_138, %add3A_283 : i32
      %mul3A_285 = arith.constant 64 : i32
      %mul3A_286 = arith.muli %add3A_284, %mul3A_285 : i32
      %add3A_287 = arith.addi %mul3A_2, %mul3A_286 : i32
      %dma_start3A_288 = arith.constant 0 : i32
      %dma_start3A_289 = tpu.memref_slice %arg4[%add3A_287, %dma_start3A_288] : memref<204800x128xf32, #tpu.memory_space<hbm>> -> memref<64x128xf32, #tpu.memory_space<hbm>>
      %dma_start3A_290 = arith.constant 0 : i32
      %dma_start3A_291 = tpu.memref_slice %arg4[%add3A_287, %dma_start3A_290] : memref<204800x128xf32, #tpu.memory_space<hbm>> -> memref<64x128xf32, #tpu.memory_space<hbm>>
      tpu.enqueue_dma source(%arg14 : memref<64x128xf32, #tpu.memory_space<vmem>>) target(%dma_start3A_291 : memref<64x128xf32, #tpu.memory_space<hbm>>) target_semaphore(%arg34 : memref<!tpu.dma_semaphore, #tpu.memory_space<semaphore_mem>>)
      %add3A_292 = arith.constant 9 : i32
      %add3A_293 = arith.addi %mul3A_138, %add3A_292 : i32
      %dma_wait3A_294 = arith.constant 0 : i32
      %dma_wait3A_295 = tpu.memref_slice %arg5[%add3A_293, %dma_wait3A_294] : memref<100x64xi32, #tpu.memory_space<vmem>> -> memref<1x64xi32, #tpu.memory_space<vmem>>
      %dma_wait3A_296 = tpu.memref_squeeze %dma_wait3A_295 : memref<1x64xi32, #tpu.memory_space<vmem>> -> memref<64xi32, #tpu.memory_space<vmem>>
      %dma_wait3A_297 = arith.constant 0 : i32
      %dma_wait3A_298 = arith.constant 0 : i32
      %dma_wait3A_299 = tpu.memref_slice %arg3[%dma_wait3A_297, %dma_wait3A_298] : memref<100000x128xf32, #tpu.memory_space<hbm>> -> memref<100000x128xf32, #tpu.memory_space<hbm>>
      tpu.wait_indirect_dma semaphore(%arg25 : memref<!tpu.dma_semaphore, #tpu.memory_space<semaphore_mem>>) src(%dma_wait3A_299 : memref<100000x128xf32, #tpu.memory_space<hbm>>) dst(%arg15 : memref<64x128xf32, #tpu.memory_space<vmem>>)
      %add3A_300 = arith.constant 9 : i32
      %add3A_301 = arith.addi %mul3A_138, %add3A_300 : i32
      %mul3A_302 = arith.constant 64 : i32
      %mul3A_303 = arith.muli %add3A_301, %mul3A_302 : i32
      %add3A_304 = arith.addi %mul3A_2, %mul3A_303 : i32
      %dma_start3A_305 = arith.constant 0 : i32
      %dma_start3A_306 = tpu.memref_slice %arg4[%add3A_304, %dma_start3A_305] : memref<204800x128xf32, #tpu.memory_space<hbm>> -> memref<64x128xf32, #tpu.memory_space<hbm>>
      %dma_start3A_307 = arith.constant 0 : i32
      %dma_start3A_308 = tpu.memref_slice %arg4[%add3A_304, %dma_start3A_307] : memref<204800x128xf32, #tpu.memory_space<hbm>> -> memref<64x128xf32, #tpu.memory_space<hbm>>
      tpu.enqueue_dma source(%arg15 : memref<64x128xf32, #tpu.memory_space<vmem>>) target(%dma_start3A_308 : memref<64x128xf32, #tpu.memory_space<hbm>>) target_semaphore(%arg35 : memref<!tpu.dma_semaphore, #tpu.memory_space<semaphore_mem>>)
      %add3A_309 = arith.constant 1 : i32
      %add3A_310 = arith.addi %scan3A_136, %add3A_309 : i32
      %lt3A = arith.constant 10 : i32
      %lt3A_311 = arith.cmpi slt, %add3A_310, %lt3A : i32
      %convert_element_type3A = arith.extui %lt3A_311 : i1 to i32
      %cond3A = arith.constant 0 : i32
      %cond3A_312 = arith.cmpi ne, %convert_element_type3A, %cond3A : i32
      scf.if %cond3A_312 {
        %add3A_313 = arith.constant 0 : i32
        %add3A_314 = arith.addi %mul3A_138, %add3A_313 : i32
        %mul3A_315 = arith.constant 64 : i32
        %mul3A_316 = arith.muli %add3A_314, %mul3A_315 : i32
        %add3A_317 = arith.addi %mul3A_2, %mul3A_316 : i32
        %dma_wait3A_318 = arith.constant 0 : i32
        %dma_wait3A_319 = tpu.memref_slice %arg4[%add3A_317, %dma_wait3A_318] : memref<204800x128xf32, #tpu.memory_space<hbm>> -> memref<64x128xf32, #tpu.memory_space<hbm>>
        %dma_wait3A_320 = arith.constant 0 : i32
        %dma_wait3A_321 = tpu.memref_slice %arg4[%add3A_317, %dma_wait3A_320] : memref<204800x128xf32, #tpu.memory_space<hbm>> -> memref<64x128xf32, #tpu.memory_space<hbm>>
        tpu.wait_dma2 semaphore(%arg26 : memref<!tpu.dma_semaphore, #tpu.memory_space<semaphore_mem>>) src(%arg6 : memref<64x128xf32, #tpu.memory_space<vmem>>) dst(%dma_wait3A_321 : memref<64x128xf32, #tpu.memory_space<hbm>>)
        %add3A_322 = arith.constant 10 : i32
        %add3A_323 = arith.addi %mul3A_138, %add3A_322 : i32
        %add3A_324 = arith.constant 0 : i32
        %add3A_325 = arith.addi %add3A_323, %add3A_324 : i32
        %dma_start3A_326 = arith.constant 0 : i32
        %dma_start3A_327 = tpu.memref_slice %arg5[%add3A_325, %dma_start3A_326] : memref<100x64xi32, #tpu.memory_space<vmem>> -> memref<1x64xi32, #tpu.memory_space<vmem>>
        %dma_start3A_328 = tpu.memref_squeeze %dma_start3A_327 : memref<1x64xi32, #tpu.memory_space<vmem>> -> memref<64xi32, #tpu.memory_space<vmem>>
        %dma_start3A_329 = arith.constant 0 : i32
        %dma_start3A_330 = arith.constant 0 : i32
        %dma_start3A_331 = tpu.memref_slice %arg3[%dma_start3A_329, %dma_start3A_330] : memref<100000x128xf32, #tpu.memory_space<hbm>> -> memref<100000x128xf32, #tpu.memory_space<hbm>>
        tpu.enqueue_indirect_dma source(%dma_start3A_331 : memref<100000x128xf32, #tpu.memory_space<hbm>>) target(%arg6 : memref<64x128xf32, #tpu.memory_space<vmem>>) offsets(%dma_start3A_328 : memref<64xi32, #tpu.memory_space<vmem>>) semaphore(%arg16 : memref<!tpu.dma_semaphore, #tpu.memory_space<semaphore_mem>>)
        %add3A_332 = arith.constant 1 : i32
        %add3A_333 = arith.addi %mul3A_138, %add3A_332 : i32
        %mul3A_334 = arith.constant 64 : i32
        %mul3A_335 = arith.muli %add3A_333, %mul3A_334 : i32
        %add3A_336 = arith.addi %mul3A_2, %mul3A_335 : i32
        %dma_wait3A_337 = arith.constant 0 : i32
        %dma_wait3A_338 = tpu.memref_slice %arg4[%add3A_336, %dma_wait3A_337] : memref<204800x128xf32, #tpu.memory_space<hbm>> -> memref<64x128xf32, #tpu.memory_space<hbm>>
        %dma_wait3A_339 = arith.constant 0 : i32
        %dma_wait3A_340 = tpu.memref_slice %arg4[%add3A_336, %dma_wait3A_339] : memref<204800x128xf32, #tpu.memory_space<hbm>> -> memref<64x128xf32, #tpu.memory_space<hbm>>
        tpu.wait_dma2 semaphore(%arg27 : memref<!tpu.dma_semaphore, #tpu.memory_space<semaphore_mem>>) src(%arg7 : memref<64x128xf32, #tpu.memory_space<vmem>>) dst(%dma_wait3A_340 : memref<64x128xf32, #tpu.memory_space<hbm>>)
        %add3A_341 = arith.constant 10 : i32
        %add3A_342 = arith.addi %mul3A_138, %add3A_341 : i32
        %add3A_343 = arith.constant 1 : i32
        %add3A_344 = arith.addi %add3A_342, %add3A_343 : i32
        %dma_start3A_345 = arith.constant 0 : i32
        %dma_start3A_346 = tpu.memref_slice %arg5[%add3A_344, %dma_start3A_345] : memref<100x64xi32, #tpu.memory_space<vmem>> -> memref<1x64xi32, #tpu.memory_space<vmem>>
        %dma_start3A_347 = tpu.memref_squeeze %dma_start3A_346 : memref<1x64xi32, #tpu.memory_space<vmem>> -> memref<64xi32, #tpu.memory_space<vmem>>
        %dma_start3A_348 = arith.constant 0 : i32
        %dma_start3A_349 = arith.constant 0 : i32
        %dma_start3A_350 = tpu.memref_slice %arg3[%dma_start3A_348, %dma_start3A_349] : memref<100000x128xf32, #tpu.memory_space<hbm>> -> memref<100000x128xf32, #tpu.memory_space<hbm>>
        tpu.enqueue_indirect_dma source(%dma_start3A_350 : memref<100000x128xf32, #tpu.memory_space<hbm>>) target(%arg7 : memref<64x128xf32, #tpu.memory_space<vmem>>) offsets(%dma_start3A_347 : memref<64xi32, #tpu.memory_space<vmem>>) semaphore(%arg17 : memref<!tpu.dma_semaphore, #tpu.memory_space<semaphore_mem>>)
        %add3A_351 = arith.constant 2 : i32
        %add3A_352 = arith.addi %mul3A_138, %add3A_351 : i32
        %mul3A_353 = arith.constant 64 : i32
        %mul3A_354 = arith.muli %add3A_352, %mul3A_353 : i32
        %add3A_355 = arith.addi %mul3A_2, %mul3A_354 : i32
        %dma_wait3A_356 = arith.constant 0 : i32
        %dma_wait3A_357 = tpu.memref_slice %arg4[%add3A_355, %dma_wait3A_356] : memref<204800x128xf32, #tpu.memory_space<hbm>> -> memref<64x128xf32, #tpu.memory_space<hbm>>
        %dma_wait3A_358 = arith.constant 0 : i32
        %dma_wait3A_359 = tpu.memref_slice %arg4[%add3A_355, %dma_wait3A_358] : memref<204800x128xf32, #tpu.memory_space<hbm>> -> memref<64x128xf32, #tpu.memory_space<hbm>>
        tpu.wait_dma2 semaphore(%arg28 : memref<!tpu.dma_semaphore, #tpu.memory_space<semaphore_mem>>) src(%arg8 : memref<64x128xf32, #tpu.memory_space<vmem>>) dst(%dma_wait3A_359 : memref<64x128xf32, #tpu.memory_space<hbm>>)
        %add3A_360 = arith.constant 10 : i32
        %add3A_361 = arith.addi %mul3A_138, %add3A_360 : i32
        %add3A_362 = arith.constant 2 : i32
        %add3A_363 = arith.addi %add3A_361, %add3A_362 : i32
        %dma_start3A_364 = arith.constant 0 : i32
        %dma_start3A_365 = tpu.memref_slice %arg5[%add3A_363, %dma_start3A_364] : memref<100x64xi32, #tpu.memory_space<vmem>> -> memref<1x64xi32, #tpu.memory_space<vmem>>
        %dma_start3A_366 = tpu.memref_squeeze %dma_start3A_365 : memref<1x64xi32, #tpu.memory_space<vmem>> -> memref<64xi32, #tpu.memory_space<vmem>>
        %dma_start3A_367 = arith.constant 0 : i32
        %dma_start3A_368 = arith.constant 0 : i32
        %dma_start3A_369 = tpu.memref_slice %arg3[%dma_start3A_367, %dma_start3A_368] : memref<100000x128xf32, #tpu.memory_space<hbm>> -> memref<100000x128xf32, #tpu.memory_space<hbm>>
        tpu.enqueue_indirect_dma source(%dma_start3A_369 : memref<100000x128xf32, #tpu.memory_space<hbm>>) target(%arg8 : memref<64x128xf32, #tpu.memory_space<vmem>>) offsets(%dma_start3A_366 : memref<64xi32, #tpu.memory_space<vmem>>) semaphore(%arg18 : memref<!tpu.dma_semaphore, #tpu.memory_space<semaphore_mem>>)
        %add3A_370 = arith.constant 3 : i32
        %add3A_371 = arith.addi %mul3A_138, %add3A_370 : i32
        %mul3A_372 = arith.constant 64 : i32
        %mul3A_373 = arith.muli %add3A_371, %mul3A_372 : i32
        %add3A_374 = arith.addi %mul3A_2, %mul3A_373 : i32
        %dma_wait3A_375 = arith.constant 0 : i32
        %dma_wait3A_376 = tpu.memref_slice %arg4[%add3A_374, %dma_wait3A_375] : memref<204800x128xf32, #tpu.memory_space<hbm>> -> memref<64x128xf32, #tpu.memory_space<hbm>>
        %dma_wait3A_377 = arith.constant 0 : i32
        %dma_wait3A_378 = tpu.memref_slice %arg4[%add3A_374, %dma_wait3A_377] : memref<204800x128xf32, #tpu.memory_space<hbm>> -> memref<64x128xf32, #tpu.memory_space<hbm>>
        tpu.wait_dma2 semaphore(%arg29 : memref<!tpu.dma_semaphore, #tpu.memory_space<semaphore_mem>>) src(%arg9 : memref<64x128xf32, #tpu.memory_space<vmem>>) dst(%dma_wait3A_378 : memref<64x128xf32, #tpu.memory_space<hbm>>)
        %add3A_379 = arith.constant 10 : i32
        %add3A_380 = arith.addi %mul3A_138, %add3A_379 : i32
        %add3A_381 = arith.constant 3 : i32
        %add3A_382 = arith.addi %add3A_380, %add3A_381 : i32
        %dma_start3A_383 = arith.constant 0 : i32
        %dma_start3A_384 = tpu.memref_slice %arg5[%add3A_382, %dma_start3A_383] : memref<100x64xi32, #tpu.memory_space<vmem>> -> memref<1x64xi32, #tpu.memory_space<vmem>>
        %dma_start3A_385 = tpu.memref_squeeze %dma_start3A_384 : memref<1x64xi32, #tpu.memory_space<vmem>> -> memref<64xi32, #tpu.memory_space<vmem>>
        %dma_start3A_386 = arith.constant 0 : i32
        %dma_start3A_387 = arith.constant 0 : i32
        %dma_start3A_388 = tpu.memref_slice %arg3[%dma_start3A_386, %dma_start3A_387] : memref<100000x128xf32, #tpu.memory_space<hbm>> -> memref<100000x128xf32, #tpu.memory_space<hbm>>
        tpu.enqueue_indirect_dma source(%dma_start3A_388 : memref<100000x128xf32, #tpu.memory_space<hbm>>) target(%arg9 : memref<64x128xf32, #tpu.memory_space<vmem>>) offsets(%dma_start3A_385 : memref<64xi32, #tpu.memory_space<vmem>>) semaphore(%arg19 : memref<!tpu.dma_semaphore, #tpu.memory_space<semaphore_mem>>)
        %add3A_389 = arith.constant 4 : i32
        %add3A_390 = arith.addi %mul3A_138, %add3A_389 : i32
        %mul3A_391 = arith.constant 64 : i32
        %mul3A_392 = arith.muli %add3A_390, %mul3A_391 : i32
        %add3A_393 = arith.addi %mul3A_2, %mul3A_392 : i32
        %dma_wait3A_394 = arith.constant 0 : i32
        %dma_wait3A_395 = tpu.memref_slice %arg4[%add3A_393, %dma_wait3A_394] : memref<204800x128xf32, #tpu.memory_space<hbm>> -> memref<64x128xf32, #tpu.memory_space<hbm>>
        %dma_wait3A_396 = arith.constant 0 : i32
        %dma_wait3A_397 = tpu.memref_slice %arg4[%add3A_393, %dma_wait3A_396] : memref<204800x128xf32, #tpu.memory_space<hbm>> -> memref<64x128xf32, #tpu.memory_space<hbm>>
        tpu.wait_dma2 semaphore(%arg30 : memref<!tpu.dma_semaphore, #tpu.memory_space<semaphore_mem>>) src(%arg10 : memref<64x128xf32, #tpu.memory_space<vmem>>) dst(%dma_wait3A_397 : memref<64x128xf32, #tpu.memory_space<hbm>>)
        %add3A_398 = arith.constant 10 : i32
        %add3A_399 = arith.addi %mul3A_138, %add3A_398 : i32
        %add3A_400 = arith.constant 4 : i32
        %add3A_401 = arith.addi %add3A_399, %add3A_400 : i32
        %dma_start3A_402 = arith.constant 0 : i32
        %dma_start3A_403 = tpu.memref_slice %arg5[%add3A_401, %dma_start3A_402] : memref<100x64xi32, #tpu.memory_space<vmem>> -> memref<1x64xi32, #tpu.memory_space<vmem>>
        %dma_start3A_404 = tpu.memref_squeeze %dma_start3A_403 : memref<1x64xi32, #tpu.memory_space<vmem>> -> memref<64xi32, #tpu.memory_space<vmem>>
        %dma_start3A_405 = arith.constant 0 : i32
        %dma_start3A_406 = arith.constant 0 : i32
        %dma_start3A_407 = tpu.memref_slice %arg3[%dma_start3A_405, %dma_start3A_406] : memref<100000x128xf32, #tpu.memory_space<hbm>> -> memref<100000x128xf32, #tpu.memory_space<hbm>>
        tpu.enqueue_indirect_dma source(%dma_start3A_407 : memref<100000x128xf32, #tpu.memory_space<hbm>>) target(%arg10 : memref<64x128xf32, #tpu.memory_space<vmem>>) offsets(%dma_start3A_404 : memref<64xi32, #tpu.memory_space<vmem>>) semaphore(%arg20 : memref<!tpu.dma_semaphore, #tpu.memory_space<semaphore_mem>>)
        %add3A_408 = arith.constant 5 : i32
        %add3A_409 = arith.addi %mul3A_138, %add3A_408 : i32
        %mul3A_410 = arith.constant 64 : i32
        %mul3A_411 = arith.muli %add3A_409, %mul3A_410 : i32
        %add3A_412 = arith.addi %mul3A_2, %mul3A_411 : i32
        %dma_wait3A_413 = arith.constant 0 : i32
        %dma_wait3A_414 = tpu.memref_slice %arg4[%add3A_412, %dma_wait3A_413] : memref<204800x128xf32, #tpu.memory_space<hbm>> -> memref<64x128xf32, #tpu.memory_space<hbm>>
        %dma_wait3A_415 = arith.constant 0 : i32
        %dma_wait3A_416 = tpu.memref_slice %arg4[%add3A_412, %dma_wait3A_415] : memref<204800x128xf32, #tpu.memory_space<hbm>> -> memref<64x128xf32, #tpu.memory_space<hbm>>
        tpu.wait_dma2 semaphore(%arg31 : memref<!tpu.dma_semaphore, #tpu.memory_space<semaphore_mem>>) src(%arg11 : memref<64x128xf32, #tpu.memory_space<vmem>>) dst(%dma_wait3A_416 : memref<64x128xf32, #tpu.memory_space<hbm>>)
        %add3A_417 = arith.constant 10 : i32
        %add3A_418 = arith.addi %mul3A_138, %add3A_417 : i32
        %add3A_419 = arith.constant 5 : i32
        %add3A_420 = arith.addi %add3A_418, %add3A_419 : i32
        %dma_start3A_421 = arith.constant 0 : i32
        %dma_start3A_422 = tpu.memref_slice %arg5[%add3A_420, %dma_start3A_421] : memref<100x64xi32, #tpu.memory_space<vmem>> -> memref<1x64xi32, #tpu.memory_space<vmem>>
        %dma_start3A_423 = tpu.memref_squeeze %dma_start3A_422 : memref<1x64xi32, #tpu.memory_space<vmem>> -> memref<64xi32, #tpu.memory_space<vmem>>
        %dma_start3A_424 = arith.constant 0 : i32
        %dma_start3A_425 = arith.constant 0 : i32
        %dma_start3A_426 = tpu.memref_slice %arg3[%dma_start3A_424, %dma_start3A_425] : memref<100000x128xf32, #tpu.memory_space<hbm>> -> memref<100000x128xf32, #tpu.memory_space<hbm>>
        tpu.enqueue_indirect_dma source(%dma_start3A_426 : memref<100000x128xf32, #tpu.memory_space<hbm>>) target(%arg11 : memref<64x128xf32, #tpu.memory_space<vmem>>) offsets(%dma_start3A_423 : memref<64xi32, #tpu.memory_space<vmem>>) semaphore(%arg21 : memref<!tpu.dma_semaphore, #tpu.memory_space<semaphore_mem>>)
        %add3A_427 = arith.constant 6 : i32
        %add3A_428 = arith.addi %mul3A_138, %add3A_427 : i32
        %mul3A_429 = arith.constant 64 : i32
        %mul3A_430 = arith.muli %add3A_428, %mul3A_429 : i32
        %add3A_431 = arith.addi %mul3A_2, %mul3A_430 : i32
        %dma_wait3A_432 = arith.constant 0 : i32
        %dma_wait3A_433 = tpu.memref_slice %arg4[%add3A_431, %dma_wait3A_432] : memref<204800x128xf32, #tpu.memory_space<hbm>> -> memref<64x128xf32, #tpu.memory_space<hbm>>
        %dma_wait3A_434 = arith.constant 0 : i32
        %dma_wait3A_435 = tpu.memref_slice %arg4[%add3A_431, %dma_wait3A_434] : memref<204800x128xf32, #tpu.memory_space<hbm>> -> memref<64x128xf32, #tpu.memory_space<hbm>>
        tpu.wait_dma2 semaphore(%arg32 : memref<!tpu.dma_semaphore, #tpu.memory_space<semaphore_mem>>) src(%arg12 : memref<64x128xf32, #tpu.memory_space<vmem>>) dst(%dma_wait3A_435 : memref<64x128xf32, #tpu.memory_space<hbm>>)
        %add3A_436 = arith.constant 10 : i32
        %add3A_437 = arith.addi %mul3A_138, %add3A_436 : i32
        %add3A_438 = arith.constant 6 : i32
        %add3A_439 = arith.addi %add3A_437, %add3A_438 : i32
        %dma_start3A_440 = arith.constant 0 : i32
        %dma_start3A_441 = tpu.memref_slice %arg5[%add3A_439, %dma_start3A_440] : memref<100x64xi32, #tpu.memory_space<vmem>> -> memref<1x64xi32, #tpu.memory_space<vmem>>
        %dma_start3A_442 = tpu.memref_squeeze %dma_start3A_441 : memref<1x64xi32, #tpu.memory_space<vmem>> -> memref<64xi32, #tpu.memory_space<vmem>>
        %dma_start3A_443 = arith.constant 0 : i32
        %dma_start3A_444 = arith.constant 0 : i32
        %dma_start3A_445 = tpu.memref_slice %arg3[%dma_start3A_443, %dma_start3A_444] : memref<100000x128xf32, #tpu.memory_space<hbm>> -> memref<100000x128xf32, #tpu.memory_space<hbm>>
        tpu.enqueue_indirect_dma source(%dma_start3A_445 : memref<100000x128xf32, #tpu.memory_space<hbm>>) target(%arg12 : memref<64x128xf32, #tpu.memory_space<vmem>>) offsets(%dma_start3A_442 : memref<64xi32, #tpu.memory_space<vmem>>) semaphore(%arg22 : memref<!tpu.dma_semaphore, #tpu.memory_space<semaphore_mem>>)
        %add3A_446 = arith.constant 7 : i32
        %add3A_447 = arith.addi %mul3A_138, %add3A_446 : i32
        %mul3A_448 = arith.constant 64 : i32
        %mul3A_449 = arith.muli %add3A_447, %mul3A_448 : i32
        %add3A_450 = arith.addi %mul3A_2, %mul3A_449 : i32
        %dma_wait3A_451 = arith.constant 0 : i32
        %dma_wait3A_452 = tpu.memref_slice %arg4[%add3A_450, %dma_wait3A_451] : memref<204800x128xf32, #tpu.memory_space<hbm>> -> memref<64x128xf32, #tpu.memory_space<hbm>>
        %dma_wait3A_453 = arith.constant 0 : i32
        %dma_wait3A_454 = tpu.memref_slice %arg4[%add3A_450, %dma_wait3A_453] : memref<204800x128xf32, #tpu.memory_space<hbm>> -> memref<64x128xf32, #tpu.memory_space<hbm>>
        tpu.wait_dma2 semaphore(%arg33 : memref<!tpu.dma_semaphore, #tpu.memory_space<semaphore_mem>>) src(%arg13 : memref<64x128xf32, #tpu.memory_space<vmem>>) dst(%dma_wait3A_454 : memref<64x128xf32, #tpu.memory_space<hbm>>)
        %add3A_455 = arith.constant 10 : i32
        %add3A_456 = arith.addi %mul3A_138, %add3A_455 : i32
        %add3A_457 = arith.constant 7 : i32
        %add3A_458 = arith.addi %add3A_456, %add3A_457 : i32
        %dma_start3A_459 = arith.constant 0 : i32
        %dma_start3A_460 = tpu.memref_slice %arg5[%add3A_458, %dma_start3A_459] : memref<100x64xi32, #tpu.memory_space<vmem>> -> memref<1x64xi32, #tpu.memory_space<vmem>>
        %dma_start3A_461 = tpu.memref_squeeze %dma_start3A_460 : memref<1x64xi32, #tpu.memory_space<vmem>> -> memref<64xi32, #tpu.memory_space<vmem>>
        %dma_start3A_462 = arith.constant 0 : i32
        %dma_start3A_463 = arith.constant 0 : i32
        %dma_start3A_464 = tpu.memref_slice %arg3[%dma_start3A_462, %dma_start3A_463] : memref<100000x128xf32, #tpu.memory_space<hbm>> -> memref<100000x128xf32, #tpu.memory_space<hbm>>
        tpu.enqueue_indirect_dma source(%dma_start3A_464 : memref<100000x128xf32, #tpu.memory_space<hbm>>) target(%arg13 : memref<64x128xf32, #tpu.memory_space<vmem>>) offsets(%dma_start3A_461 : memref<64xi32, #tpu.memory_space<vmem>>) semaphore(%arg23 : memref<!tpu.dma_semaphore, #tpu.memory_space<semaphore_mem>>)
        %add3A_465 = arith.constant 8 : i32
        %add3A_466 = arith.addi %mul3A_138, %add3A_465 : i32
        %mul3A_467 = arith.constant 64 : i32
        %mul3A_468 = arith.muli %add3A_466, %mul3A_467 : i32
        %add3A_469 = arith.addi %mul3A_2, %mul3A_468 : i32
        %dma_wait3A_470 = arith.constant 0 : i32
        %dma_wait3A_471 = tpu.memref_slice %arg4[%add3A_469, %dma_wait3A_470] : memref<204800x128xf32, #tpu.memory_space<hbm>> -> memref<64x128xf32, #tpu.memory_space<hbm>>
        %dma_wait3A_472 = arith.constant 0 : i32
        %dma_wait3A_473 = tpu.memref_slice %arg4[%add3A_469, %dma_wait3A_472] : memref<204800x128xf32, #tpu.memory_space<hbm>> -> memref<64x128xf32, #tpu.memory_space<hbm>>
        tpu.wait_dma2 semaphore(%arg34 : memref<!tpu.dma_semaphore, #tpu.memory_space<semaphore_mem>>) src(%arg14 : memref<64x128xf32, #tpu.memory_space<vmem>>) dst(%dma_wait3A_473 : memref<64x128xf32, #tpu.memory_space<hbm>>)
        %add3A_474 = arith.constant 10 : i32
        %add3A_475 = arith.addi %mul3A_138, %add3A_474 : i32
        %add3A_476 = arith.constant 8 : i32
        %add3A_477 = arith.addi %add3A_475, %add3A_476 : i32
        %dma_start3A_478 = arith.constant 0 : i32
        %dma_start3A_479 = tpu.memref_slice %arg5[%add3A_477, %dma_start3A_478] : memref<100x64xi32, #tpu.memory_space<vmem>> -> memref<1x64xi32, #tpu.memory_space<vmem>>
        %dma_start3A_480 = tpu.memref_squeeze %dma_start3A_479 : memref<1x64xi32, #tpu.memory_space<vmem>> -> memref<64xi32, #tpu.memory_space<vmem>>
        %dma_start3A_481 = arith.constant 0 : i32
        %dma_start3A_482 = arith.constant 0 : i32
        %dma_start3A_483 = tpu.memref_slice %arg3[%dma_start3A_481, %dma_start3A_482] : memref<100000x128xf32, #tpu.memory_space<hbm>> -> memref<100000x128xf32, #tpu.memory_space<hbm>>
        tpu.enqueue_indirect_dma source(%dma_start3A_483 : memref<100000x128xf32, #tpu.memory_space<hbm>>) target(%arg14 : memref<64x128xf32, #tpu.memory_space<vmem>>) offsets(%dma_start3A_480 : memref<64xi32, #tpu.memory_space<vmem>>) semaphore(%arg24 : memref<!tpu.dma_semaphore, #tpu.memory_space<semaphore_mem>>)
        %add3A_484 = arith.constant 9 : i32
        %add3A_485 = arith.addi %mul3A_138, %add3A_484 : i32
        %mul3A_486 = arith.constant 64 : i32
        %mul3A_487 = arith.muli %add3A_485, %mul3A_486 : i32
        %add3A_488 = arith.addi %mul3A_2, %mul3A_487 : i32
        %dma_wait3A_489 = arith.constant 0 : i32
        %dma_wait3A_490 = tpu.memref_slice %arg4[%add3A_488, %dma_wait3A_489] : memref<204800x128xf32, #tpu.memory_space<hbm>> -> memref<64x128xf32, #tpu.memory_space<hbm>>
        %dma_wait3A_491 = arith.constant 0 : i32
        %dma_wait3A_492 = tpu.memref_slice %arg4[%add3A_488, %dma_wait3A_491] : memref<204800x128xf32, #tpu.memory_space<hbm>> -> memref<64x128xf32, #tpu.memory_space<hbm>>
        tpu.wait_dma2 semaphore(%arg35 : memref<!tpu.dma_semaphore, #tpu.memory_space<semaphore_mem>>) src(%arg15 : memref<64x128xf32, #tpu.memory_space<vmem>>) dst(%dma_wait3A_492 : memref<64x128xf32, #tpu.memory_space<hbm>>)
        %add3A_493 = arith.constant 10 : i32
        %add3A_494 = arith.addi %mul3A_138, %add3A_493 : i32
        %add3A_495 = arith.constant 9 : i32
        %add3A_496 = arith.addi %add3A_494, %add3A_495 : i32
        %dma_start3A_497 = arith.constant 0 : i32
        %dma_start3A_498 = tpu.memref_slice %arg5[%add3A_496, %dma_start3A_497] : memref<100x64xi32, #tpu.memory_space<vmem>> -> memref<1x64xi32, #tpu.memory_space<vmem>>
        %dma_start3A_499 = tpu.memref_squeeze %dma_start3A_498 : memref<1x64xi32, #tpu.memory_space<vmem>> -> memref<64xi32, #tpu.memory_space<vmem>>
        %dma_start3A_500 = arith.constant 0 : i32
        %dma_start3A_501 = arith.constant 0 : i32
        %dma_start3A_502 = tpu.memref_slice %arg3[%dma_start3A_500, %dma_start3A_501] : memref<100000x128xf32, #tpu.memory_space<hbm>> -> memref<100000x128xf32, #tpu.memory_space<hbm>>
        tpu.enqueue_indirect_dma source(%dma_start3A_502 : memref<100000x128xf32, #tpu.memory_space<hbm>>) target(%arg15 : memref<64x128xf32, #tpu.memory_space<vmem>>) offsets(%dma_start3A_499 : memref<64xi32, #tpu.memory_space<vmem>>) semaphore(%arg25 : memref<!tpu.dma_semaphore, #tpu.memory_space<semaphore_mem>>)
      } else {
      }
    }
    %scan3A_76 = arith.constant 10 : i32
    %add3A_77 = arith.constant 5760 : i32
    %add3A_78 = arith.addi %mul3A_2, %add3A_77 : i32
    %dma_wait3A = arith.constant 0 : i32
    %dma_wait3A_79 = tpu.memref_slice %arg4[%add3A_78, %dma_wait3A] : memref<204800x128xf32, #tpu.memory_space<hbm>> -> memref<64x128xf32, #tpu.memory_space<hbm>>
    %dma_wait3A_80 = arith.constant 0 : i32
    %dma_wait3A_81 = tpu.memref_slice %arg4[%add3A_78, %dma_wait3A_80] : memref<204800x128xf32, #tpu.memory_space<hbm>> -> memref<64x128xf32, #tpu.memory_space<hbm>>
    tpu.wait_dma2 semaphore(%arg26 : memref<!tpu.dma_semaphore, #tpu.memory_space<semaphore_mem>>) src(%arg6 : memref<64x128xf32, #tpu.memory_space<vmem>>) dst(%dma_wait3A_81 : memref<64x128xf32, #tpu.memory_space<hbm>>)
    %add3A_82 = arith.constant 5824 : i32
    %add3A_83 = arith.addi %mul3A_2, %add3A_82 : i32
    %dma_wait3A_84 = arith.constant 0 : i32
    %dma_wait3A_85 = tpu.memref_slice %arg4[%add3A_83, %dma_wait3A_84] : memref<204800x128xf32, #tpu.memory_space<hbm>> -> memref<64x128xf32, #tpu.memory_space<hbm>>
    %dma_wait3A_86 = arith.constant 0 : i32
    %dma_wait3A_87 = tpu.memref_slice %arg4[%add3A_83, %dma_wait3A_86] : memref<204800x128xf32, #tpu.memory_space<hbm>> -> memref<64x128xf32, #tpu.memory_space<hbm>>
    tpu.wait_dma2 semaphore(%arg27 : memref<!tpu.dma_semaphore, #tpu.memory_space<semaphore_mem>>) src(%arg7 : memref<64x128xf32, #tpu.memory_space<vmem>>) dst(%dma_wait3A_87 : memref<64x128xf32, #tpu.memory_space<hbm>>)
    %add3A_88 = arith.constant 5888 : i32
    %add3A_89 = arith.addi %mul3A_2, %add3A_88 : i32
    %dma_wait3A_90 = arith.constant 0 : i32
    %dma_wait3A_91 = tpu.memref_slice %arg4[%add3A_89, %dma_wait3A_90] : memref<204800x128xf32, #tpu.memory_space<hbm>> -> memref<64x128xf32, #tpu.memory_space<hbm>>
    %dma_wait3A_92 = arith.constant 0 : i32
    %dma_wait3A_93 = tpu.memref_slice %arg4[%add3A_89, %dma_wait3A_92] : memref<204800x128xf32, #tpu.memory_space<hbm>> -> memref<64x128xf32, #tpu.memory_space<hbm>>
    tpu.wait_dma2 semaphore(%arg28 : memref<!tpu.dma_semaphore, #tpu.memory_space<semaphore_mem>>) src(%arg8 : memref<64x128xf32, #tpu.memory_space<vmem>>) dst(%dma_wait3A_93 : memref<64x128xf32, #tpu.memory_space<hbm>>)
    %add3A_94 = arith.constant 5952 : i32
    %add3A_95 = arith.addi %mul3A_2, %add3A_94 : i32
    %dma_wait3A_96 = arith.constant 0 : i32
    %dma_wait3A_97 = tpu.memref_slice %arg4[%add3A_95, %dma_wait3A_96] : memref<204800x128xf32, #tpu.memory_space<hbm>> -> memref<64x128xf32, #tpu.memory_space<hbm>>
    %dma_wait3A_98 = arith.constant 0 : i32
    %dma_wait3A_99 = tpu.memref_slice %arg4[%add3A_95, %dma_wait3A_98] : memref<204800x128xf32, #tpu.memory_space<hbm>> -> memref<64x128xf32, #tpu.memory_space<hbm>>
    tpu.wait_dma2 semaphore(%arg29 : memref<!tpu.dma_semaphore, #tpu.memory_space<semaphore_mem>>) src(%arg9 : memref<64x128xf32, #tpu.memory_space<vmem>>) dst(%dma_wait3A_99 : memref<64x128xf32, #tpu.memory_space<hbm>>)
    %add3A_100 = arith.constant 6016 : i32
    %add3A_101 = arith.addi %mul3A_2, %add3A_100 : i32
    %dma_wait3A_102 = arith.constant 0 : i32
    %dma_wait3A_103 = tpu.memref_slice %arg4[%add3A_101, %dma_wait3A_102] : memref<204800x128xf32, #tpu.memory_space<hbm>> -> memref<64x128xf32, #tpu.memory_space<hbm>>
    %dma_wait3A_104 = arith.constant 0 : i32
    %dma_wait3A_105 = tpu.memref_slice %arg4[%add3A_101, %dma_wait3A_104] : memref<204800x128xf32, #tpu.memory_space<hbm>> -> memref<64x128xf32, #tpu.memory_space<hbm>>
    tpu.wait_dma2 semaphore(%arg30 : memref<!tpu.dma_semaphore, #tpu.memory_space<semaphore_mem>>) src(%arg10 : memref<64x128xf32, #tpu.memory_space<vmem>>) dst(%dma_wait3A_105 : memref<64x128xf32, #tpu.memory_space<hbm>>)
    %add3A_106 = arith.constant 6080 : i32
    %add3A_107 = arith.addi %mul3A_2, %add3A_106 : i32
    %dma_wait3A_108 = arith.constant 0 : i32
    %dma_wait3A_109 = tpu.memref_slice %arg4[%add3A_107, %dma_wait3A_108] : memref<204800x128xf32, #tpu.memory_space<hbm>> -> memref<64x128xf32, #tpu.memory_space<hbm>>
    %dma_wait3A_110 = arith.constant 0 : i32
    %dma_wait3A_111 = tpu.memref_slice %arg4[%add3A_107, %dma_wait3A_110] : memref<204800x128xf32, #tpu.memory_space<hbm>> -> memref<64x128xf32, #tpu.memory_space<hbm>>
    tpu.wait_dma2 semaphore(%arg31 : memref<!tpu.dma_semaphore, #tpu.memory_space<semaphore_mem>>) src(%arg11 : memref<64x128xf32, #tpu.memory_space<vmem>>) dst(%dma_wait3A_111 : memref<64x128xf32, #tpu.memory_space<hbm>>)
    %add3A_112 = arith.constant 6144 : i32
    %add3A_113 = arith.addi %mul3A_2, %add3A_112 : i32
    %dma_wait3A_114 = arith.constant 0 : i32
    %dma_wait3A_115 = tpu.memref_slice %arg4[%add3A_113, %dma_wait3A_114] : memref<204800x128xf32, #tpu.memory_space<hbm>> -> memref<64x128xf32, #tpu.memory_space<hbm>>
    %dma_wait3A_116 = arith.constant 0 : i32
    %dma_wait3A_117 = tpu.memref_slice %arg4[%add3A_113, %dma_wait3A_116] : memref<204800x128xf32, #tpu.memory_space<hbm>> -> memref<64x128xf32, #tpu.memory_space<hbm>>
    tpu.wait_dma2 semaphore(%arg32 : memref<!tpu.dma_semaphore, #tpu.memory_space<semaphore_mem>>) src(%arg12 : memref<64x128xf32, #tpu.memory_space<vmem>>) dst(%dma_wait3A_117 : memref<64x128xf32, #tpu.memory_space<hbm>>)
    %add3A_118 = arith.constant 6208 : i32
    %add3A_119 = arith.addi %mul3A_2, %add3A_118 : i32
    %dma_wait3A_120 = arith.constant 0 : i32
    %dma_wait3A_121 = tpu.memref_slice %arg4[%add3A_119, %dma_wait3A_120] : memref<204800x128xf32, #tpu.memory_space<hbm>> -> memref<64x128xf32, #tpu.memory_space<hbm>>
    %dma_wait3A_122 = arith.constant 0 : i32
    %dma_wait3A_123 = tpu.memref_slice %arg4[%add3A_119, %dma_wait3A_122] : memref<204800x128xf32, #tpu.memory_space<hbm>> -> memref<64x128xf32, #tpu.memory_space<hbm>>
    tpu.wait_dma2 semaphore(%arg33 : memref<!tpu.dma_semaphore, #tpu.memory_space<semaphore_mem>>) src(%arg13 : memref<64x128xf32, #tpu.memory_space<vmem>>) dst(%dma_wait3A_123 : memref<64x128xf32, #tpu.memory_space<hbm>>)
    %add3A_124 = arith.constant 6272 : i32
    %add3A_125 = arith.addi %mul3A_2, %add3A_124 : i32
    %dma_wait3A_126 = arith.constant 0 : i32
    %dma_wait3A_127 = tpu.memref_slice %arg4[%add3A_125, %dma_wait3A_126] : memref<204800x128xf32, #tpu.memory_space<hbm>> -> memref<64x128xf32, #tpu.memory_space<hbm>>
    %dma_wait3A_128 = arith.constant 0 : i32
    %dma_wait3A_129 = tpu.memref_slice %arg4[%add3A_125, %dma_wait3A_128] : memref<204800x128xf32, #tpu.memory_space<hbm>> -> memref<64x128xf32, #tpu.memory_space<hbm>>
    tpu.wait_dma2 semaphore(%arg34 : memref<!tpu.dma_semaphore, #tpu.memory_space<semaphore_mem>>) src(%arg14 : memref<64x128xf32, #tpu.memory_space<vmem>>) dst(%dma_wait3A_129 : memref<64x128xf32, #tpu.memory_space<hbm>>)
    %add3A_130 = arith.constant 6336 : i32
    %add3A_131 = arith.addi %mul3A_2, %add3A_130 : i32
    %dma_wait3A_132 = arith.constant 0 : i32
    %dma_wait3A_133 = tpu.memref_slice %arg4[%add3A_131, %dma_wait3A_132] : memref<204800x128xf32, #tpu.memory_space<hbm>> -> memref<64x128xf32, #tpu.memory_space<hbm>>
    %dma_wait3A_134 = arith.constant 0 : i32
    %dma_wait3A_135 = tpu.memref_slice %arg4[%add3A_131, %dma_wait3A_134] : memref<204800x128xf32, #tpu.memory_space<hbm>> -> memref<64x128xf32, #tpu.memory_space<hbm>>
    tpu.wait_dma2 semaphore(%arg35 : memref<!tpu.dma_semaphore, #tpu.memory_space<semaphore_mem>>) src(%arg15 : memref<64x128xf32, #tpu.memory_space<vmem>>) dst(%dma_wait3A_135 : memref<64x128xf32, #tpu.memory_space<hbm>>)
    return
  }
}

</mosaic_0001>

<sc_bundles>
// kernel: _sc_embed_lookup.3.cloned.1.call-start
scs
__scs_entry_jumppad:
0x0: {  	(pc) =	sbr.rel $0x88, $3  }
0x1: {  	(tag) =	ssettag $0x0;
	lr =	simm.s32 $0x1  }
0x2: {  	[smem:$0x3F9F] =	sst lr;
	_ =	strace $0xD0000000  }
0x3: {  	_ = 	snop  }
0x4: {  	_ = 	snop  }
0x5: {  	_ = 	snop  }
0x6: {  	_ = 	snop  }
0x7: {  	_ = 	snop  }
__scs_overlays_trampoline_lowered:
0x8: {  	[smem:$0x3FAE] =	sst s0  }
0x9: {  	[smem:$0x3FAF] =	sst s1  }
0xa: {  	[smem:$0x3FB0] =	sst s2  }
0xb: {  	[smem:$0x3FB1] =	sst s3  }
0xc: {  	[smem:$0x3FB2] =	sst s4  }
0xd: {  	[smem:$0x3FB3] =	sst s5  }
0xe: {  	[smem:$0x3FB4] =	sst s6  }
0xf: {  	[smem:$0x3FB5] =	sst s7  }
0x10: {  	[smem:$0x3FB6] =	sst s8  }
0x11: {  	[smem:$0x3FB7] =	sst s9;
	s0 =	simm.s32 @!p0 $0x0  }
0x12: {  	s1 =	sld [smem:$0x3F9D];
	s0 =	simm.s32 @p0 $0x1  }
0x13: {  	[smem:$0x3FB8] =	sst s0;
	s0 =	simm.s32 @!p1 $0x0  }
0x14: {  	s2 =	sld [smem:$0x3F9C];
	s0 =	simm.s32 @p1 $0x1  }
0x15: {  	[smem:$0x3FB9] =	sst s0;
	s0 =	simm.s32 @!p2 $0x0  }
0x16: {  	s3 =	sld [smem:$0x3FDB];
	s0 =	simm.s32 @p2 $0x1  }
0x17: {  	s4 =	simm.s32 $0x1BF5;
	[smem:$0x3FBB] =	sst s0  }
0x18: {  	s0 =	sld [smem:$0x3F9E];
	_ =	swait.ge [sflag:s4], $0x0  }
0x19: {  	s7 =	sld [smem:$0x3F9F]  }
0x1a: {  	s8 =	sadd.s32 $0xFFFFE003, lr  }
0x1b: {  	s9 =	sadd.s32 $0xFFFFFEF7, lr;
	s5 =	simm.s32 $0xFFFFFFFF;
	p2 =	slt.u32 s8, $0xFFFFF086  }
0x1c: {  	p1 =	slt.u32 s9, $0xF7A;
	s5 =	simm.s32 @!p2 $0x0  }
0x1d: {  	s5 =	simm.s32 @p1 $0x1;
	p0 =	seq.s32 s7, s2  }
0x1e: {  	s7 =	smul.u32 @!p0 $0xF7A, s2;
	p2 =	seq.s32 @!p0 s5, $0x0  }
0x1f: {  	s9 =	smul.u32 $0xF7A, s1;
	s8 =	simm.s32 @!p0 $0x1BF5;
	p2 =	por !p2, p0  }
0x20: {  	[sflag:s8] =	ssyncset.s32 @!p0 $0xFFFFF086;
	s6 =	sadd.s32 @!p0 s3, s7;
	s7 =	simm.s32 @!p0 $0x108  }
0x21: {  	s3 =	sadd.s32 s3, s9;
	s6 =	sadd.s32 @!p0 $0x88, s6;
	s7 =	simm.s32 @p2 $0x1082  }
0x22: {  	[simem:s7], [sflag:s8] =	dma.local @!p0 [hbm:s6], $0xF7A  }
0x23: {  	s9 =	sor.u32 $0xD0000000, s2;
	s6 =	simm.s32 $0x108;
	_ =	swait.ge @!p0 [sflag:s8], $0x0  }
0x24: {  	s3 =	sadd.s32 $0x88, s3;
	s6 =	simm.s32 @!p1 $0x1082;
	[sflag:s4] =	ssyncset.s32 $0xFFFFF086  }
0x25: {  	[simem:s6], [sflag:s4] =	dma.local [hbm:s3], $0xF7A  }
0x26: {  	[smem:$0x3F9F] =	sst s1;
	(tag) =	ssettag s2;
	_ =	strace s9  }
0x27: {  	s1 =	sld [smem:$0x3FAF]  }
0x28: {  	s2 =	sld [smem:$0x3FB0]  }
0x29: {  	s4 =	sld [smem:$0x3FB2]  }
0x2a: {  	p0 =	seq.s32 s5, $0x0;
	s5 =	sld [smem:$0x3FB3]  }
0x2b: {  	s6 =	sld [smem:$0x3FB4]  }
0x2c: {  	s7 =	sld [smem:$0x3FB5]  }
0x2d: {  	s3 =	simm.s32 $0x108;
	s8 =	sld [smem:$0x3FB6]  }
0x2e: {  	s3 =	simm.s32 @!p0 $0x1082;
	s9 =	sld [smem:$0x3FB7]  }
0x2f: {  	lr =	sadd.s32 s0, s3;
	s0 =	sld [smem:$0x3FAE]  }
0x30: {  	s3 =	sld [smem:$0x3FB1]  }
0x31: {  	[smem:$0x3FBA] =	sst s10  }
0x32: {  	s10 =	sld [smem:$0x3FB8];
	_ =	sdelay $0x3  }
0x33: {  	p0 =	seq.s32 s10, $0x1;
	s10 =	sld [smem:$0x3FBA];
	_ =	sdelay $0x3  }
0x34: {  	[smem:$0x3FBA] =	sst s10  }
0x35: {  	s10 =	sld [smem:$0x3FB9];
	_ =	sdelay $0x3  }
0x36: {  	p1 =	seq.s32 s10, $0x1;
	s10 =	sld [smem:$0x3FBA];
	_ =	sdelay $0x3  }
0x37: {  	[smem:$0x3FBA] =	sst s10  }
0x38: {  	s10 =	sld [smem:$0x3FBB]  }
0x39: {  	_ = 	snop;
	(pc) =	sbr.ind lr, $3  }
0x3a: {  	_ = 	snop  }
0x3b: {  	_ = 	snop  }
0x3c: {  	p2 =	seq.s32 s10, $0x1;
	s10 =	sld [smem:$0x3FBA]  }
0x3d: {  	_ =	shalt  }
0x3e: {  	_ =	shalt  }
0x3f: {  	_ =	shalt  }
0x40: {  	_ =	shalt  }
0x41: {  	_ =	shalt  }
0x42: {  	_ =	shalt  }
0x43: {  	_ =	shalt  }
0x44: {  	_ =	shalt  }
0x45: {  	_ =	shalt  }
0x46: {  	_ =	shalt  }
0x47: {  	_ =	shalt  }
0x48: {  	_ =	shalt  }
0x49: {  	_ =	shalt  }
0x4a: {  	_ =	shalt  }
0x4b: {  	_ =	shalt  }
0x4c: {  	_ =	shalt  }
0x4d: {  	_ =	shalt  }
0x4e: {  	_ =	shalt  }
0x4f: {  	_ =	shalt  }
0x50: {  	_ =	shalt  }
0x51: {  	_ =	shalt  }
0x52: {  	_ =	shalt  }
0x53: {  	_ =	shalt  }
0x54: {  	_ =	shalt  }
0x55: {  	_ =	shalt  }
0x56: {  	_ =	shalt  }
0x57: {  	_ =	shalt  }
0x58: {  	_ =	shalt  }
0x59: {  	_ =	shalt  }
0x5a: {  	_ =	shalt  }
0x5b: {  	_ =	shalt  }
0x5c: {  	_ =	shalt  }
0x5d: {  	_ =	shalt  }
0x5e: {  	_ =	shalt  }
0x5f: {  	_ =	shalt  }
0x60: {  	_ =	shalt  }
0x61: {  	_ =	shalt  }
0x62: {  	_ =	shalt  }
0x63: {  	_ =	shalt  }
0x64: {  	_ =	shalt  }
0x65: {  	_ =	shalt  }
0x66: {  	_ =	shalt  }
0x67: {  	_ =	shalt  }
0x68: {  	_ =	shalt  }
0x69: {  	_ =	shalt  }
0x6a: {  	_ =	shalt  }
0x6b: {  	_ =	shalt  }
0x6c: {  	_ =	shalt  }
0x6d: {  	_ =	shalt  }
0x6e: {  	_ =	shalt  }
0x6f: {  	_ =	shalt  }
0x70: {  	_ =	shalt  }
0x71: {  	_ =	shalt  }
0x72: {  	_ =	shalt  }
0x73: {  	_ =	shalt  }
0x74: {  	_ =	shalt  }
0x75: {  	_ =	shalt  }
0x76: {  	_ =	shalt  }
0x77: {  	_ =	shalt  }
0x78: {  	_ =	shalt  }
0x79: {  	_ =	shalt  }
0x7a: {  	_ =	shalt  }
0x7b: {  	_ =	shalt  }
0x7c: {  	_ =	shalt  }
0x7d: {  	_ =	shalt  }
0x7e: {  	_ =	shalt  }
0x7f: {  	_ =	shalt  }
0x80: {  	_ =	shalt  }
0x81: {  	_ =	shalt  }
0x82: {  	_ =	shalt  }
0x83: {  	_ =	shalt  }
0x84: {  	_ =	shalt  }
0x85: {  	_ =	shalt  }
0x86: {  	_ =	shalt  }
0x87: {  	_ =	shalt  }
.Lfunc_end0:
.L_simem_size_0:
called_computation_lowered:
.L_overlay_start_0:
0x88: {  	s2 =	sld [smem:$0x3FD9]  }
0x89: {  	s3 =	sld [smem:$0x3FFE];
	_ =	sdelay $0x1  }
0x8a: {  	s1 =	srdreg.scid  }
0x8b: {  	s0 =	sand.u32 $0x1, s1  }
0x8c: {  	s17 =	sshll.u32 s0, $0xA;
	s2 =	sadd.s32 s3, s2  }
0x8d: {  	s2 =	sadd.s32 s2, s17  }
0x8e: {  	[smem:$0x3FC6] =	sst s2  }
0x8f: {  	_ = 	snop  }
0x90: {  	s2 =	sld [smem:$0x3FC8]  }
0x91: {  	s18 =	sld [smem:$0x3FD0];
	(tm) =	ssettm $0x1  }
0x92: {  	s4 =	sld [smem:$0x3FFB];
	_ =	sdelay $0x3  }
0x93: {  	_ =	strace s4  }
0x94: {  	s4 =	sld [smem:$0x3FFC];
	_ =	sdelay $0x3  }
0x95: {  	_ =	strace s4  }
0x96: {  	s4 =	sld [smem:$0x3FFD];
	_ =	sdelay $0x3  }
0x97: {  	_ =	strace s4  }
0x98: {  	_ =	strace $0x8FFFFFFF  }
0x99: {  	s19 =	sld [smem:$0x3FDB];
	_ =	sdelay $0x1  }
0x9a: {  	s5 =	simm.s32 $_scs_section_size  }
0x9b: {  	s6 =	simm.s32 $_size__tile_overlayer_lowered;
	s7 =	simm.s32 $_tile_overlayer_lowered  }
0x9c: {  	s22 =	simm.s32 $0x1BFF;
	s21 =	sshll.u32 s7, $0x1;
	s4 =	sadd.s32 s5, s19  }
0x9d: {  	s8 =	simm.s32 $0x0;
	s20 =	sshll.u32 s6, $0x1;
	s6 =	sadd.s32 s21, s4  }
0x9e: {  	[timem:s8], [sflag:s22] =	dma.local [hbm:s6], s20  }
0x9f: {  	_ =	swait.ge [sflag:s22], s20  }
0xa0: {  	s5 =	ssub.s32 $0x0, s20;
	[sflag:s22] =	ssyncset.done $0x0  }
0xa1: {  	[sflag:s22] =	ssyncadd.s32 s5;
	_ =	sdelay $0x1  }
0xa2: {  	s23 =	simm.s32 $0x1B8B  }
0xa3: {  	_ =	swait.ge [sflag:s23], $0x1  }
0xa4: {  	[sflag:s23] =	ssyncset.done $0x0  }
0xa5: {  	s25 =	simm.s32 $0x1B8E;
	s24 =	sld [smem:$0x3FFE];
	[sflag:s23] =	ssyncadd.s32 $0xFFFFFFFF  }
0xa6: {  	s26 =	simm.s32 $execute0_lowered;
	[smem:$0x3FD2] =	sst s25  }
0xa7: {  	s6 =	sshll.u32 s26, $0x1;
	_ =	strace $0x80000046;
	[dreg:$0x1] =	wrdreg $0xFFFFFFFF  }
0xa8: {  	s28 =	simm.s32 $_size_execute0_lowered;
	s4 =	sadd.s32 s4, s6;
	[dreg:$0x0] =	wrdreg $0x0  }
0xa9: {  	s6 =	sshll.u32 s28, $0x1;
	[dreg:$0x2] =	wrdreg s4  }
0xaa: {  	[dreg:$0x3] =	wrdreg s6  }
0xab: {  	[dreg:$0x4] =	wrdreg $0xC0  }
0xac: {  	_ =	task [dreg:s8], $0x5FFFF  }
0xad: {  	[dreg:$0x1] =	wrdreg $0xFFFFFFFF  }
0xae: {  	[dreg:$0x0] =	wrdreg $0x60  }
0xaf: {  	[dreg:$0x2] =	wrdreg s24  }
0xb0: {  	[dreg:$0x3] =	wrdreg s2  }
0xb1: {  	[dreg:$0x4] =	wrdreg s18  }
0xb2: {  	[dreg:$0x5] =	wrdreg $0x9  }
0xb3: {  	_ =	task.clear_ibuf [dreg:s8], $0x6FFFF;
	_ =	strace $0x90000046  }
0xb4: {  	s29 =	simm.s32 $0x9;
	_ =	strace $0x80000048  }
0xb5: {  	_ =	swait.ge [sflag:s29], $0x1  }
0xb6: {  	[sflag:s29] =	ssyncadd.s32 $0xFFFFFFFF  }
0xb7: {  	_ =	strace $0x90000048  }
0xb8: {  	_ =	sfence  }
0xb9: {  	s30 =	sld [smem:$0x0];
	_ =	sdelay $0x2  }
0xba: {  	s31 =	sshll.u32 s1, $0xD;
	s1 =	sshrl.u32 s1, $0x2  }
0xbb: {  	s3 =	sand.u32 $0x4000, s31;
	s1 =	sadd.s32 s1, s30  }
0xbc: {  	s0 =	sor.u32 s3, s0;
	s1 =	sshll.u32 s1, $0x11  }
0xbd: {  	s0 =	sor.u32 s1, s0  }
0xbe: {  	s0 =	sadd.s32 $0x8F2B, s0  }
0xbf: {  	[sflag:s0] =	ssyncadd.remote.s32 $0x1  }
0xc0: {  	_ =	sfence.sel $0xFFFF  }
0xc1: {  	[dreg:$0x0] =	wrdreg $0xFFFFFFFF;
	(pc) =	sbr.abs _section_cstart, $3  }
0xc2: {  	[dreg:$0x1] =	wrdreg $0xFFFFFFFF  }
0xc3: {  	_ =	task.clear_ibuf [dreg:s8], $0x2FFFF;
	_ =	strace $0x9FFFFFFF  }
0xc4: {  	(tm) =	ssettm $0x7FFFFFFF  }
0xc5: {  	_ =	shalt  }
tec
execute0_lowered:
.L_overlay_start_1:
0x0: {  	(tag) =	ssettag $0x1  }
0x1: {  	s0 =	srdreg.scid;
	s1 =	rddreg [dreg:$0x0]  }
0x2: {  	s6 =	stileid.u32;
	s2 =	rddreg [dreg:$0x1]  }
0x3: {  	s4 =	rddreg [dreg:$0x2];
	s9 =	simm.s32 $0x3400;
	s11 =	simm.s32 $0x5400  }
0x4: {  	s13 =	simm.s32 $0x7400;
	s15 =	simm.s32 $0x9400;
	s17 =	simm.s32 $0xB400  }
0x5: {  	s19 =	simm.s32 $0xD400;
	s21 =	simm.s32 $0xF400;
	s23 =	simm.s32 $0x11400  }
0x6: {  	s28 =	simm.s32 $0x15400;
	s29 =	simm.s32 $0x1;
	s30 =	simm.s32 $0x2  }
0x7: {  	s31 =	simm.s32 $0x3;
	s10 =	simm.s32 $0x6;
	s12 =	simm.s32 $0x7  }
0x8: {  	s14 =	simm.s32 $0x8;
	s16 =	simm.s32 $0x9;
	s18 =	simm.s32 $0xA  }
0x9: {  	s0 =	sand.u32 $0x1, s0;
	s3 =	sshll.u32 s6, $0x1;
	s6 =	smul.u32 $0x32000, s6  }
0xa: {  	s3 =	sor.u32 s0, s3;
	s7 =	ssub.s32 $0x2, s0;
	s0 =	smul.u32 $0x19000, s0  }
0xb: {  	s22 =	simm.s32 $0x14;
	s24 =	simm.s32 $0x0;
	s5 =	smul.u32 $0x680, s3  }
0xc: {  	s3 =	simm.s32 $0x0;
	s8 =	sshrl.u32 s7, $0x1;
	s4 =	sadd.s32 s6, s4  }
0xd: {  	[smem:$0x7FF] =	sst s3;
	s25 =	ssub.s32 s7, s8;
	s0 =	sadd.s32 s0, s4  }
0xe: {  	s8 =	simm.s32 $0x40;
	_ =	strace $0x80000047;
	s26 =	smax.u32 s25, $0x1  }
0xf: {  	s1 =	sadd.s32 s5, s1;
	s0 =	sadd.s32 $0x2400, s0;
	[dreg:$0x5] =	wrdreg s26  }
0x10: {  	s25 =	simm.s32 $0x13400;
	s1 =	sadd.s32 $0x400, s1;
	[dreg:$0x6] =	wrdreg s0  }
0x11: {  	s0 =	simm.s32 $0x5;
	[dreg:$0x4] =	wrdreg s1;
	s1 =	simm.s32 $0x4  }
.LBB2_1:
0x12: {  	s4 =	rddreg [dreg:$0x4];
	s5 =	simm.s32 $0x15  }
0x13: {  	[tilespmem:s3], [sflag:$0x15] =	stream.linear.gather [hbm4b:s4+s3], $0x3200, $0x38;
	[tilespmem:$0x17400] =	vst v63  }
0x14: {  	_ =	swait.ge [sflag:s5], $0x3200  }
0x15: {  	[sflag:s5] =	ssyncset.done $0x0  }
0x16: {  	[sflag:s5] =	ssyncadd.s32 $0xFFFFCE00  }
0x17: {  	[tilespmem:s9], [sflag:$0x1] =	stream.indirect.gather [hbm4b:s2+s8], $0x80, s3, s8, $0xb8;
	[tilespmem:$0x17400] =	vst v63  }
0x18: {  	s6 =	simm.s32 $0x80  }
0x19: {  	[tilespmem:s11], [sflag:$0x2] =	stream.indirect.gather [hbm4b:s2+s8], $0x80, s6, s8, $0xb8;
	[tilespmem:$0x17400] =	vst v63  }
0x1a: {  	s7 =	simm.s32 $0x100  }
0x1b: {  	[tilespmem:s13], [sflag:$0x3] =	stream.indirect.gather [hbm4b:s2+s8], $0x80, s7, s8, $0xb8;
	[tilespmem:$0x17400] =	vst v63  }
0x1c: {  	s20 =	simm.s32 $0x180  }
0x1d: {  	[tilespmem:s15], [sflag:$0x4] =	stream.indirect.gather [hbm4b:s2+s8], $0x80, s20, s8, $0xb8;
	[tilespmem:$0x17400] =	vst v63  }
0x1e: {  	s26 =	simm.s32 $0x200  }
0x1f: {  	[tilespmem:s17], [sflag:$0x5] =	stream.indirect.gather [hbm4b:s2+s8], $0x80, s26, s8, $0xb8;
	[tilespmem:$0x17400] =	vst v63  }
0x20: {  	s5 =	simm.s32 $0x280  }
0x21: {  	[tilespmem:s19], [sflag:$0x6] =	stream.indirect.gather [hbm4b:s2+s8], $0x80, s5, s8, $0xb8;
	[tilespmem:$0x17400] =	vst v63  }
0x22: {  	s6 =	simm.s32 $0x300  }
0x23: {  	[tilespmem:s21], [sflag:$0x7] =	stream.indirect.gather [hbm4b:s2+s8], $0x80, s6, s8, $0xb8;
	[tilespmem:$0x17400] =	vst v63  }
0x24: {  	s7 =	simm.s32 $0x380  }
0x25: {  	[tilespmem:s23], [sflag:$0x8] =	stream.indirect.gather [hbm4b:s2+s8], $0x80, s7, s8, $0xb8;
	[tilespmem:$0x17400] =	vst v63  }
0x26: {  	s20 =	simm.s32 $0x400  }
0x27: {  	[tilespmem:s25], [sflag:$0x9] =	stream.indirect.gather [hbm4b:s2+s8], $0x80, s20, s8, $0xb8;
	[tilespmem:$0x17400] =	vst v63  }
0x28: {  	s26 =	simm.s32 $0x480  }
0x29: {  	[tilespmem:s28], [sflag:$0xA] =	stream.indirect.gather [hbm4b:s2+s8], $0x80, s26, s8, $0xb8;
	[tilespmem:$0x17400] =	vst v63  }
0x2a: {  	s4 =	simm.s32 $0x0;
	s26 =	rddreg [dreg:$0x6]  }
.LBB2_2:
0x2b: {  	_ =	swait.ge [sflag:s29], $0x2000  }
0x2c: {  	[sflag:s29] =	ssyncset.done $0x0  }
0x2d: {  	s5 =	sadd.s32 $0xFFFFDC00, s26;
	[sflag:s29] =	ssyncadd.s32 $0xFFFFE000  }
0x2e: {  	[hbm4b:s5+s3] =	stream.linear.scatter [tilespmem:s9], [sflag:$0xB], $0x2000, $0x38;
	[tilespmem:$0x17400] =	vst v63  }
0x2f: {  	_ =	swait.ge [sflag:s30], $0x2000  }
0x30: {  	[sflag:s30] =	ssyncset.done $0x0  }
0x31: {  	s7 =	sadd.s32 $0xFFFFE000, s26;
	[sflag:s30] =	ssyncadd.s32 $0xFFFFE000  }
0x32: {  	[hbm4b:s7+s3] =	stream.linear.scatter [tilespmem:s11], [sflag:$0xC], $0x2000, $0x38;
	[tilespmem:$0x17400] =	vst v63  }
0x33: {  	_ =	swait.ge [sflag:s31], $0x2000  }
0x34: {  	[sflag:s31] =	ssyncset.done $0x0  }
0x35: {  	s20 =	sadd.s32 $0xFFFFE400, s26;
	[sflag:s31] =	ssyncadd.s32 $0xFFFFE000  }
0x36: {  	[hbm4b:s20+s3] =	stream.linear.scatter [tilespmem:s13], [sflag:$0xD], $0x2000, $0x38;
	[tilespmem:$0x17400] =	vst v63  }
0x37: {  	_ =	swait.ge [sflag:s1], $0x2000  }
0x38: {  	[sflag:s1] =	ssyncset.done $0x0  }
0x39: {  	s6 =	sadd.s32 $0xFFFFE800, s26;
	[sflag:s1] =	ssyncadd.s32 $0xFFFFE000  }
0x3a: {  	[hbm4b:s6+s3] =	stream.linear.scatter [tilespmem:s15], [sflag:$0xE], $0x2000, $0x38;
	[tilespmem:$0x17400] =	vst v63  }
0x3b: {  	_ =	swait.ge [sflag:s0], $0x2000  }
0x3c: {  	[sflag:s0] =	ssyncset.done $0x0  }
0x3d: {  	s7 =	sadd.s32 $0xFFFFEC00, s26;
	[sflag:s0] =	ssyncadd.s32 $0xFFFFE000  }
0x3e: {  	[hbm4b:s7+s3] =	stream.linear.scatter [tilespmem:s17], [sflag:$0xF], $0x2000, $0x38;
	[tilespmem:$0x17400] =	vst v63  }
0x3f: {  	_ =	swait.ge [sflag:s10], $0x2000  }
0x40: {  	[sflag:s10] =	ssyncset.done $0x0  }
0x41: {  	s20 =	sadd.s32 $0xFFFFF000, s26;
	[sflag:s10] =	ssyncadd.s32 $0xFFFFE000  }
0x42: {  	[hbm4b:s20+s3] =	stream.linear.scatter [tilespmem:s19], [sflag:$0x10], $0x2000, $0x38;
	[tilespmem:$0x17400] =	vst v63  }
0x43: {  	_ =	swait.ge [sflag:s12], $0x2000  }
0x44: {  	[sflag:s12] =	ssyncset.done $0x0  }
0x45: {  	s6 =	sadd.s32 $0xFFFFF400, s26;
	[sflag:s12] =	ssyncadd.s32 $0xFFFFE000  }
0x46: {  	[hbm4b:s6+s3] =	stream.linear.scatter [tilespmem:s21], [sflag:$0x11], $0x2000, $0x38;
	[tilespmem:$0x17400] =	vst v63  }
0x47: {  	_ =	swait.ge [sflag:s14], $0x2000  }
0x48: {  	[sflag:s14] =	ssyncset.done $0x0  }
0x49: {  	s7 =	sadd.s32 $0xFFFFF800, s26;
	[sflag:s14] =	ssyncadd.s32 $0xFFFFE000  }
0x4a: {  	[hbm4b:s7+s3] =	stream.linear.scatter [tilespmem:s23], [sflag:$0x12], $0x2000, $0x38;
	[tilespmem:$0x17400] =	vst v63  }
0x4b: {  	_ =	swait.ge [sflag:s16], $0x2000  }
0x4c: {  	[sflag:s16] =	ssyncset.done $0x0  }
0x4d: {  	s20 =	sadd.s32 $0xFFFFFC00, s26;
	[sflag:s16] =	ssyncadd.s32 $0xFFFFE000  }
0x4e: {  	[hbm4b:s20+s3] =	stream.linear.scatter [tilespmem:s25], [sflag:$0x13], $0x2000, $0x38;
	[tilespmem:$0x17400] =	vst v63  }
0x4f: {  	_ =	swait.ge [sflag:s18], $0x2000  }
0x50: {  	p0 =	seq.s32 s4, $0xB400;
	[sflag:s18] =	ssyncset.done $0x0  }
0x51: {  	s5 =	simm.s32 @!p0 $0xB;
	[sflag:s18] =	ssyncadd.s32 $0xFFFFE000  }
0x52: {  	[hbm4b:s26+s3] =	stream.linear.scatter [tilespmem:s28], [sflag:$0x14], $0x2000, $0x38;
	[tilespmem:$0x17400] =	vst v63  }
0x53: {  	_ =	swait.ge @!p0 [sflag:s5], $0x2000  }
0x54: {  	[sflag:s5] =	ssyncset.done @!p0 $0x0  }
0x55: {  	[sflag:s5] =	ssyncadd.s32 @!p0 $0xFFFFE000;
	s5 =	sshra.s32 @!p0 s4, $0x2  }
0x56: {  	s6 =	simm.s32 @!p0 $0x40;
	s20 =	simm.s32 @!p0 $0x3400;
	s7 =	sadd.s32 @!p0 $0x500, s5  }
0x57: {  	[tilespmem:s20], [sflag:$0x1] =	stream.indirect.gather @!p0 [hbm4b:s2+s6], $0x80, s7, s6, $0xb8;
	[tilespmem:$0x17400] =	vst v63  }
0x58: {  	s7 =	simm.s32 @!p0 $0xC  }
0x59: {  	_ =	swait.ge @!p0 [sflag:s7], $0x2000  }
0x5a: {  	[sflag:s7] =	ssyncset.done @!p0 $0x0  }
0x5b: {  	s20 =	simm.s32 @!p0 $0x5400;
	[sflag:s7] =	ssyncadd.s32 @!p0 $0xFFFFE000;
	s7 =	sadd.s32 @!p0 $0x580, s5  }
0x5c: {  	[tilespmem:s20], [sflag:$0x2] =	stream.indirect.gather @!p0 [hbm4b:s2+s6], $0x80, s7, s6, $0xb8;
	[tilespmem:$0x17400] =	vst v63  }
0x5d: {  	s7 =	simm.s32 @!p0 $0xD  }
0x5e: {  	_ =	swait.ge @!p0 [sflag:s7], $0x2000  }
0x5f: {  	[sflag:s7] =	ssyncset.done @!p0 $0x0  }
0x60: {  	s20 =	simm.s32 @!p0 $0x7400;
	[sflag:s7] =	ssyncadd.s32 @!p0 $0xFFFFE000;
	s7 =	sadd.s32 @!p0 $0x600, s5  }
0x61: {  	[tilespmem:s20], [sflag:$0x3] =	stream.indirect.gather @!p0 [hbm4b:s2+s6], $0x80, s7, s6, $0xb8;
	[tilespmem:$0x17400] =	vst v63  }
0x62: {  	s7 =	simm.s32 @!p0 $0xE  }
0x63: {  	_ =	swait.ge @!p0 [sflag:s7], $0x2000  }
0x64: {  	[sflag:s7] =	ssyncset.done @!p0 $0x0  }
0x65: {  	s20 =	simm.s32 @!p0 $0x9400;
	[sflag:s7] =	ssyncadd.s32 @!p0 $0xFFFFE000;
	s7 =	sadd.s32 @!p0 $0x680, s5  }
0x66: {  	[tilespmem:s20], [sflag:$0x4] =	stream.indirect.gather @!p0 [hbm4b:s2+s6], $0x80, s7, s6, $0xb8;
	[tilespmem:$0x17400] =	vst v63  }
0x67: {  	s7 =	simm.s32 @!p0 $0xF  }
0x68: {  	_ =	swait.ge @!p0 [sflag:s7], $0x2000  }
0x69: {  	[sflag:s7] =	ssyncset.done @!p0 $0x0  }
0x6a: {  	s20 =	simm.s32 @!p0 $0xB400;
	[sflag:s7] =	ssyncadd.s32 @!p0 $0xFFFFE000;
	s7 =	sadd.s32 @!p0 $0x700, s5  }
0x6b: {  	[tilespmem:s20], [sflag:$0x5] =	stream.indirect.gather @!p0 [hbm4b:s2+s6], $0x80, s7, s6, $0xb8;
	[tilespmem:$0x17400] =	vst v63  }
0x6c: {  	s7 =	simm.s32 @!p0 $0x10  }
0x6d: {  	_ =	swait.ge @!p0 [sflag:s7], $0x2000  }
0x6e: {  	[sflag:s7] =	ssyncset.done @!p0 $0x0  }
0x6f: {  	s20 =	simm.s32 @!p0 $0xD400;
	[sflag:s7] =	ssyncadd.s32 @!p0 $0xFFFFE000;
	s7 =	sadd.s32 @!p0 $0x780, s5  }
0x70: {  	[tilespmem:s20], [sflag:$0x6] =	stream.indirect.gather @!p0 [hbm4b:s2+s6], $0x80, s7, s6, $0xb8;
	[tilespmem:$0x17400] =	vst v63  }
0x71: {  	s7 =	simm.s32 @!p0 $0x11  }
0x72: {  	_ =	swait.ge @!p0 [sflag:s7], $0x2000  }
0x73: {  	[sflag:s7] =	ssyncset.done @!p0 $0x0  }
0x74: {  	s20 =	simm.s32 @!p0 $0xF400;
	[sflag:s7] =	ssyncadd.s32 @!p0 $0xFFFFE000;
	s7 =	sadd.s32 @!p0 $0x800, s5  }
0x75: {  	[tilespmem:s20], [sflag:$0x7] =	stream.indirect.gather @!p0 [hbm4b:s2+s6], $0x80, s7, s6, $0xb8;
	[tilespmem:$0x17400] =	vst v63  }
0x76: {  	s7 =	simm.s32 @!p0 $0x12  }
0x77: {  	_ =	swait.ge @!p0 [sflag:s7], $0x2000  }
0x78: {  	[sflag:s7] =	ssyncset.done @!p0 $0x0  }
0x79: {  	s20 =	simm.s32 @!p0 $0x11400;
	[sflag:s7] =	ssyncadd.s32 @!p0 $0xFFFFE000;
	s7 =	sadd.s32 @!p0 $0x880, s5  }
0x7a: {  	[tilespmem:s20], [sflag:$0x8] =	stream.indirect.gather @!p0 [hbm4b:s2+s6], $0x80, s7, s6, $0xb8;
	[tilespmem:$0x17400] =	vst v63  }
0x7b: {  	s4 =	sadd.s32 @!p0 $0x1400, s4;
	s7 =	simm.s32 @!p0 $0x13  }
0x7c: {  	p1 =	sne.s32 @!p0 s4, $0xC800;
	_ =	swait.ge @!p0 [sflag:s7], $0x2000  }
0x7d: {  	p1 =	por p0, !p1;
	[sflag:s7] =	ssyncset.done @!p0 $0x0  }
0x7e: {  	s20 =	simm.s32 @!p0 $0x13400;
	[sflag:s7] =	ssyncadd.s32 @!p0 $0xFFFFE000;
	s7 =	sadd.s32 @!p0 $0x900, s5  }
0x7f: {  	[tilespmem:s20], [sflag:$0x9] =	stream.indirect.gather @!p0 [hbm4b:s2+s6], $0x80, s7, s6, $0xb8;
	[tilespmem:$0x17400] =	vst v63  }
.Ltmp0:
0x80: {  	s7 =	simm.s32 @!p0 $0x14;
	(pc) =	sbr.rel @!p1 .LBB2_2-.Ltmp0, $4  }
0x81: {  	_ =	swait.ge @!p0 [sflag:s7], $0x2000  }
0x82: {  	s26 =	sadd.s32 @!p0 $0x2800, s26;
	[sflag:s7] =	ssyncset.done @!p0 $0x0  }
0x83: {  	s5 =	sadd.s32 @!p0 $0x980, s5;
	[sflag:s7] =	ssyncadd.s32 @!p0 $0xFFFFE000;
	s7 =	simm.s32 @!p0 $0x15400  }
0x84: {  	[tilespmem:s7], [sflag:$0xA] =	stream.indirect.gather @!p0 [hbm4b:s2+s6], $0x80, s5, s6, $0xb8;
	[tilespmem:$0x17400] =	vst v63  }
0x85: {  	s4 =	simm.s32 $0xB  }
0x86: {  	_ =	swait.ge [sflag:s4], $0x2000  }
0x87: {  	[sflag:s4] =	ssyncset.done $0x0  }
0x88: {  	s6 =	simm.s32 $0xC;
	[sflag:s4] =	ssyncadd.s32 $0xFFFFE000  }
0x89: {  	_ =	swait.ge [sflag:s6], $0x2000  }
0x8a: {  	[sflag:s6] =	ssyncset.done $0x0  }
0x8b: {  	s7 =	simm.s32 $0xD;
	[sflag:s6] =	ssyncadd.s32 $0xFFFFE000  }
0x8c: {  	_ =	swait.ge [sflag:s7], $0x2000  }
0x8d: {  	[sflag:s7] =	ssyncset.done $0x0  }
0x8e: {  	s20 =	simm.s32 $0xE;
	[sflag:s7] =	ssyncadd.s32 $0xFFFFE000  }
0x8f: {  	_ =	swait.ge [sflag:s20], $0x2000  }
0x90: {  	[sflag:s20] =	ssyncset.done $0x0  }
0x91: {  	s26 =	simm.s32 $0xF;
	[sflag:s20] =	ssyncadd.s32 $0xFFFFE000  }
0x92: {  	_ =	swait.ge [sflag:s26], $0x2000  }
0x93: {  	[sflag:s26] =	ssyncset.done $0x0  }
0x94: {  	s5 =	simm.s32 $0x10;
	[sflag:s26] =	ssyncadd.s32 $0xFFFFE000  }
0x95: {  	_ =	swait.ge [sflag:s5], $0x2000  }
0x96: {  	[sflag:s5] =	ssyncset.done $0x0  }
0x97: {  	s6 =	simm.s32 $0x11;
	[sflag:s5] =	ssyncadd.s32 $0xFFFFE000  }
0x98: {  	_ =	swait.ge [sflag:s6], $0x2000  }
0x99: {  	[sflag:s6] =	ssyncset.done $0x0  }
0x9a: {  	s7 =	simm.s32 $0x12;
	[sflag:s6] =	ssyncadd.s32 $0xFFFFE000  }
0x9b: {  	_ =	swait.ge [sflag:s7], $0x2000  }
0x9c: {  	[sflag:s7] =	ssyncset.done $0x0  }
0x9d: {  	s20 =	simm.s32 $0x13;
	[sflag:s7] =	ssyncadd.s32 $0xFFFFE000  }
0x9e: {  	_ =	swait.ge [sflag:s20], $0x2000  }
0x9f: {  	[sflag:s20] =	ssyncset.done $0x0  }
0xa0: {  	[sflag:s20] =	ssyncadd.s32 $0xFFFFE000  }
0xa1: {  	_ =	swait.ge [sflag:s22], $0x2000  }
0xa2: {  	s24 =	sadd.s32 $0x1, s24;
	s26 =	rddreg [dreg:$0x5]  }
0xa3: {  	p0 =	sne.s32 s24, s26  }
.Ltmp1:
0xa4: {  	_ = 	snop;
	(pc) =	sbr.rel @p0 .LBB2_1-.Ltmp1, $3  }
0xa5: {  	_ =	sdelay $0x1  }
0xa6: {  	[sflag:s22] =	ssyncset.done $0x0  }
0xa7: {  	[sflag:s22] =	ssyncadd.s32 $0xFFFFE000  }
0xa8: {  	_ =	sfence.sel $0x180000  }
0xa9: {  	[bflag:$0x0] =	sbarrier.arrive $0xFFFF  }
0xaa: {  	_ =	strace $0x90000047  }
0xab: {  	s0 =	stileid.u32;
	[bflag:$0x2] =	sbarrier.arrive $0xFFFF  }
0xac: {  	p0 =	sne.s32 s0, $0x0;
	s0 =	rddreg [dreg:$0x3]  }
0xad: {  	s0 =	sadd.s32 @!p0 $0x100000, s0  }
0xae: {  	[sflag:s0] =	ssyncadd.tile.s32 @!p0 $0x1;
	_ =	shalt  }
.Lfunc_end2:
_tile_overlayer_lowered:
.L_overlay_start_2:
0xaf: {  	(tag) =	ssettag $0x2  }
0xb0: {  	s0 =	rddreg [dreg:$0x0];
	s2 =	stileid.u32  }
0xb1: {  	s1 =	rddreg [dreg:$0x1];
	p0 =	sne.s32 s2, $0x0  }
0xb2: {  	s3 =	rddreg [dreg:$0x2];
	[bflag:$0x3] =	sbarrier.arrive $0xFFFF;
	s2 =	simm.s32 @!p0 $0x1C15  }
0xb3: {  	[timem:s3], [sflag:s2] =	dma.local @!p0 [hbm:s0], s1  }
0xb4: {  	s0 =	simm.s32 @!p0 $0x15  }
0xb5: {  	_ =	swait.ge @!p0 [sflag:s0], s1  }
0xb6: {  	s1 =	ssub.s32 @!p0 $0x0, s1;
	[sflag:s0] =	ssyncset.done @!p0 $0x0  }
0xb7: {  	[sflag:s0] =	ssyncadd.s32 @!p0 s1  }
0xb8: {  	[bflag:$0x3] =	sbarrier.arrive $0xFFFF  }
0xb9: {  	_ =	shalt  }

</sc_bundles>
